<compile_context>
chip_gen: v7x
topology: tpu7x:2x2x1
jax: 0.10.2.dev20260603
libtpu: 0.0.44.dev20260713+nightly
codegen_flags: <defaults>
</compile_context>

<pallas_src>
import functools

import jax
import jax.numpy as jnp
from jax import lax
from jax.experimental import pallas as pl
from jax.experimental.pallas import tpu as pltpu
from jax.experimental.pallas import tpu_sc as plsc

NC = 2
NS = 16
NW = NC * NS
LC_ROWS = 7816
OC = 4


@jax.jit
def _lookup(idx2, table, lastcol):
    b, s = idx2.shape
    v, d = table.shape
    rows_per_w = b // NW
    chunk = OC * s
    n_steps = rows_per_w // OC
    lc_per_s = 488
    ngrp = chunk // 16
    mesh = plsc.VectorSubcoreMesh(core_axis_name="c", subcore_axis_name="s")

    @functools.partial(
        pl.kernel,
        mesh=mesh,
        out_type=jax.ShapeDtypeStruct((b, s, d), jnp.float32),
        compiler_params=pltpu.CompilerParams(needs_layout_passes=False),
        scratch_types=[
            pltpu.VMEM((2 * OC, s), jnp.int32),
            pltpu.VMEM((chunk,), jnp.int32),
            pltpu.VMEM((OC, s, d), jnp.float32),
            pltpu.VMEM((chunk, 128), jnp.float32),
            pltpu.VMEM_SHARED((LC_ROWS, 128), jnp.float32),
            pltpu.SemaphoreType.DMA,
            pltpu.SemaphoreType.DMA,
        ],
    )
    def k(idx_hbm, table_hbm, lc_hbm, out_hbm, idx2_v, idxhi_v,
          rows_v, slab_v, lc_sh, sem, sem2):
        cid = lax.axis_index("c")
        sid = lax.axis_index("s")
        wid = sid * NC + cid
        row_base = wid * rows_per_w
        iota16 = lax.iota(jnp.int32, 16)
        p_outer = [
            lax.div(iota16 + g * 16, jnp.int32(s)) for g in range(ngrp)
        ]
        p_inner = [
            lax.rem(iota16 + g * 16, jnp.int32(s)) for g in range(ngrp)
        ]
        col_last = jnp.full((16,), d - 1, jnp.int32)

        so = sid * lc_per_s
        pltpu.sync_copy(
            lc_hbm.at[pl.ds(so, lc_per_s)], lc_sh.at[pl.ds(so, lc_per_s)]
        )

        @pl.when(sid == NS - 1)
        def _stage_tail():
            pltpu.sync_copy(
                lc_hbm.at[pl.ds(NS * lc_per_s, LC_ROWS - NS * lc_per_s)],
                lc_sh.at[pl.ds(NS * lc_per_s, LC_ROWS - NS * lc_per_s)],
            )

        plsc.subcore_barrier()

        def step_body(c, carry):
            outer = row_base + c * OC
            par = lax.rem(c, 2) * OC

            @pl.when(lax.rem(c, 2) == 0)
            def _refresh():
                offr = pl.multiple_of(
                    row_base + lax.div(c, 2) * (2 * OC), 2 * OC
                )
                pltpu.sync_copy(idx_hbm.at[pl.ds(offr, 2 * OC)], idx2_v)

            for g in range(ngrp):
                iv = plsc.load_gather(
                    idx2_v, [p_outer[g] + par, p_inner[g]]
                )
                idxhi_v[pl.ds(g * 16, 16)] = lax.shift_right_logical(iv, 7)
            mains = []
            for j in range(OC):
                mains.append(
                    pltpu.async_copy(
                        table_hbm.at[idx2_v.at[par + j], pl.ds(0, d - 1)],
                        rows_v.at[j, :, pl.ds(0, d - 1)],
                        sem,
                    )
                )
            pltpu.async_copy(lc_sh.at[idxhi_v], slab_v, sem2).wait()
            for m in mains:
                m.wait()
            for g in range(ngrp):
                iv = plsc.load_gather(
                    idx2_v, [p_outer[g] + par, p_inner[g]]
                )
                lo = lax.bitwise_and(iv, 127)
                rows16 = iota16 + g * 16
                vals = plsc.load_gather(slab_v, [rows16, lo])
                plsc.store_scatter(
                    rows_v, [p_outer[g], p_inner[g], col_last], vals
                )
            for j in range(OC):
                pltpu.sync_copy(rows_v.at[j], out_hbm.at[outer + j])
            return carry

        lax.fori_loop(0, n_steps, step_body, 0, unroll=False)

    return k(idx2, table, lastcol)


def kernel(indices, embeddings):
    b, s = indices.shape
    v, d = embeddings.shape
    idx2 = indices.astype(jnp.int32)
    lastcol = jnp.pad(
        embeddings[:, d - 1], (0, LC_ROWS * 128 - v)
    ).reshape(LC_ROWS, 128)
    return _lookup(idx2, embeddings, lastcol)

# --- scband reference (transcript-rebuilt; emitter-appended) ---
"""Pipeline reference for scband-lorentz-embedding-7112465842371 (READ-ONLY COPY).

The authoritative reference and input builder live on the scoring server;
editing this copy changes nothing except your own understanding.
"""

import jax, jax.numpy as jnp
import numpy as np

NUM_ENTITIES = 1000000
DIM = 128
C = 1.0

def _lorentz_random(key, n, d_plus_1, c):
    # Mimic geoopt Lorentz.random: sample tangent-ish gaussian spatial coords,
    # then lift onto the hyperboloid: x0 = sqrt(1/c + ||x_spatial||^2)
    spatial = jax.random.normal(key, (n, d_plus_1 - 1), dtype=jnp.float32)
    x0 = jnp.sqrt(1.0 / c + jnp.sum(spatial * spatial, axis=-1, keepdims=True))
    return jnp.concatenate([x0, spatial], axis=-1)

def setup_inputs(seed: int = 0) -> dict:
    key = jax.random.key(seed)
    k_idx, k_emb = jax.random.split(key)
    indices = jax.random.randint(k_idx, (16384, 20), 0, NUM_ENTITIES, dtype=jnp.int64)
    embeddings = _lorentz_random(k_emb, NUM_ENTITIES, DIM + 1, C)
    return {"indices": indices, "embeddings": embeddings}

def reference(indices, embeddings):
    # forward: self.embeddings[indices]
    return jnp.take(embeddings, indices, axis=0)

if __name__ == "__main__":
    import jax
    _d = setup_inputs()
    print(jax.jit(kernel)(*tuple(_d.values())))

</pallas_src>

<mosaic_0001>
#map = affine_map<(d0, d1) -> (0, 0)>
#map1 = affine_map<(d0, d1) -> (0, 0, 0)>
module attributes {stable_mosaic.version = 14 : i64} {
  func.func @k(%arg0: i32, %arg1: i32, %arg2: memref<16384x20xi32, #tpu.memory_space<hbm>>, %arg3: memref<1000000x129xf32, #tpu.memory_space<hbm>>, %arg4: memref<7816x128xf32, #tpu.memory_space<hbm>>, %arg5: memref<16384x20x129xf32, #tpu.memory_space<hbm>>, %arg6: memref<8x20xi32, #tpu.memory_space<vmem>>, %arg7: memref<80xi32, #tpu.memory_space<vmem>>, %arg8: memref<4x20x129xf32, #tpu.memory_space<vmem>>, %arg9: memref<80x128xf32, #tpu.memory_space<vmem>>, %arg10: memref<7816x128xf32, #tpu.memory_space<vmem_shared>>, %arg11: memref<!tpu.dma_semaphore, #tpu.memory_space<semaphore_mem>>, %arg12: memref<!tpu.dma_semaphore, #tpu.memory_space<semaphore_mem>>) attributes {dimension_semantics = [#tpu.dimension_semantics<core_parallel>, #tpu.dimension_semantics<subcore_parallel>], iteration_bounds = array<i64: 2, 16>, scalar_prefetch = 0 : i64, scratch_operands = 7 : i64, tpu.core_type = #tpu.core_type<sc_vector_subcore>, window_params = [{transform_indices = #map}, {transform_indices = #map}, {transform_indices = #map}, {transform_indices = #map1}]} {
    %mul3A = arith.constant 2 : i32
    %mul3A_0 = arith.muli %arg1, %mul3A : i32
    %add3A = arith.addi %mul3A_0, %arg0 : i32
    %mul3A_1 = arith.constant 512 : i32
    %mul3A_2 = arith.muli %add3A, %mul3A_1 : i32
    %iota3A = tpu.iota {dimensions = array<i32: 0>} : vector<16xi32>
    %add3A_3 = arith.constant 0 : i32
    %add3A_4 = vector.broadcast %add3A_3 : i32 to vector<16xi32>
    %add3A_5 = arith.addi %iota3A, %add3A_4 : vector<16xi32>
    %div3A = arith.constant 20 : i32
    %div3A_6 = vector.broadcast %div3A : i32 to vector<16xi32>
    %div3A_7 = arith.divsi %add3A_5, %div3A_6 : vector<16xi32>
    %add3A_8 = arith.constant 16 : i32
    %add3A_9 = vector.broadcast %add3A_8 : i32 to vector<16xi32>
    %add3A_10 = arith.addi %iota3A, %add3A_9 : vector<16xi32>
    %div3A_11 = arith.constant 20 : i32
    %div3A_12 = vector.broadcast %div3A_11 : i32 to vector<16xi32>
    %div3A_13 = arith.divsi %add3A_10, %div3A_12 : vector<16xi32>
    %add3A_14 = arith.constant 32 : i32
    %add3A_15 = vector.broadcast %add3A_14 : i32 to vector<16xi32>
    %add3A_16 = arith.addi %iota3A, %add3A_15 : vector<16xi32>
    %div3A_17 = arith.constant 20 : i32
    %div3A_18 = vector.broadcast %div3A_17 : i32 to vector<16xi32>
    %div3A_19 = arith.divsi %add3A_16, %div3A_18 : vector<16xi32>
    %add3A_20 = arith.constant 48 : i32
    %add3A_21 = vector.broadcast %add3A_20 : i32 to vector<16xi32>
    %add3A_22 = arith.addi %iota3A, %add3A_21 : vector<16xi32>
    %div3A_23 = arith.constant 20 : i32
    %div3A_24 = vector.broadcast %div3A_23 : i32 to vector<16xi32>
    %div3A_25 = arith.divsi %add3A_22, %div3A_24 : vector<16xi32>
    %add3A_26 = arith.constant 64 : i32
    %add3A_27 = vector.broadcast %add3A_26 : i32 to vector<16xi32>
    %add3A_28 = arith.addi %iota3A, %add3A_27 : vector<16xi32>
    %div3A_29 = arith.constant 20 : i32
    %div3A_30 = vector.broadcast %div3A_29 : i32 to vector<16xi32>
    %div3A_31 = arith.divsi %add3A_28, %div3A_30 : vector<16xi32>
    %add3A_32 = arith.constant 0 : i32
    %add3A_33 = vector.broadcast %add3A_32 : i32 to vector<16xi32>
    %add3A_34 = arith.addi %iota3A, %add3A_33 : vector<16xi32>
    %rem3A = arith.constant 20 : i32
    %rem3A_35 = vector.broadcast %rem3A : i32 to vector<16xi32>
    %rem3A_36 = arith.remsi %add3A_34, %rem3A_35 : vector<16xi32>
    %add3A_37 = arith.constant 16 : i32
    %add3A_38 = vector.broadcast %add3A_37 : i32 to vector<16xi32>
    %add3A_39 = arith.addi %iota3A, %add3A_38 : vector<16xi32>
    %rem3A_40 = arith.constant 20 : i32
    %rem3A_41 = vector.broadcast %rem3A_40 : i32 to vector<16xi32>
    %rem3A_42 = arith.remsi %add3A_39, %rem3A_41 : vector<16xi32>
    %add3A_43 = arith.constant 32 : i32
    %add3A_44 = vector.broadcast %add3A_43 : i32 to vector<16xi32>
    %add3A_45 = arith.addi %iota3A, %add3A_44 : vector<16xi32>
    %rem3A_46 = arith.constant 20 : i32
    %rem3A_47 = vector.broadcast %rem3A_46 : i32 to vector<16xi32>
    %rem3A_48 = arith.remsi %add3A_45, %rem3A_47 : vector<16xi32>
    %add3A_49 = arith.constant 48 : i32
    %add3A_50 = vector.broadcast %add3A_49 : i32 to vector<16xi32>
    %add3A_51 = arith.addi %iota3A, %add3A_50 : vector<16xi32>
    %rem3A_52 = arith.constant 20 : i32
    %rem3A_53 = vector.broadcast %rem3A_52 : i32 to vector<16xi32>
    %rem3A_54 = arith.remsi %add3A_51, %rem3A_53 : vector<16xi32>
    %add3A_55 = arith.constant 64 : i32
    %add3A_56 = vector.broadcast %add3A_55 : i32 to vector<16xi32>
    %add3A_57 = arith.addi %iota3A, %add3A_56 : vector<16xi32>
    %rem3A_58 = arith.constant 20 : i32
    %rem3A_59 = vector.broadcast %rem3A_58 : i32 to vector<16xi32>
    %rem3A_60 = arith.remsi %add3A_57, %rem3A_59 : vector<16xi32>
    %broadcast_in_dim3A = arith.constant 128 : i32
    %broadcast_in_dim3A_61 = vector.broadcast %broadcast_in_dim3A : i32 to vector<16xi32>
    %mul3A_62 = arith.constant 488 : i32
    %mul3A_63 = arith.muli %arg1, %mul3A_62 : i32
    "tpu.region"() ({
      %run_scoped3A = tpu.sem_alloc : memref<!tpu.dma_semaphore, #tpu.memory_space<semaphore_mem>>
      %dma_start3A = arith.constant 0 : i32
      %dma_start3A_71 = tpu.memref_slice %arg10[%mul3A_63, %dma_start3A] : memref<7816x128xf32, #tpu.memory_space<vmem_shared>> -> memref<488x128xf32, #tpu.memory_space<vmem_shared>>
      %dma_start3A_72 = arith.constant 0 : i32
      %dma_start3A_73 = tpu.memref_slice %arg4[%mul3A_63, %dma_start3A_72] : memref<7816x128xf32, #tpu.memory_space<hbm>> -> memref<488x128xf32, #tpu.memory_space<hbm>>
      tpu.enqueue_dma source(%dma_start3A_73 : memref<488x128xf32, #tpu.memory_space<hbm>>) target(%dma_start3A_71 : memref<488x128xf32, #tpu.memory_space<vmem_shared>>) target_semaphore(%run_scoped3A : memref<!tpu.dma_semaphore, #tpu.memory_space<semaphore_mem>>)
      %dma_wait3A = arith.constant 0 : i32
      %dma_wait3A_74 = tpu.memref_slice %arg10[%mul3A_63, %dma_wait3A] : memref<7816x128xf32, #tpu.memory_space<vmem_shared>> -> memref<488x128xf32, #tpu.memory_space<vmem_shared>>
      %dma_wait3A_75 = arith.constant 0 : i32
      %dma_wait3A_76 = tpu.memref_slice %arg4[%mul3A_63, %dma_wait3A_75] : memref<7816x128xf32, #tpu.memory_space<hbm>> -> memref<488x128xf32, #tpu.memory_space<hbm>>
      tpu.wait_dma2 semaphore(%run_scoped3A : memref<!tpu.dma_semaphore, #tpu.memory_space<semaphore_mem>>) src(%dma_wait3A_76 : memref<488x128xf32, #tpu.memory_space<hbm>>) dst(%dma_wait3A_74 : memref<488x128xf32, #tpu.memory_space<vmem_shared>>)
      tpu.yield
    }) : () -> ()
    %eq3A = arith.constant 15 : i32
    %eq3A_64 = arith.cmpi eq, %arg1, %eq3A : i32
    %convert_element_type3A = arith.extui %eq3A_64 : i1 to i32
    %cond3A = arith.constant 0 : i32
    %cond3A_65 = arith.cmpi ne, %convert_element_type3A, %cond3A : i32
    scf.if %cond3A_65 {
      "tpu.region"() ({
        %run_scoped3A = tpu.sem_alloc : memref<!tpu.dma_semaphore, #tpu.memory_space<semaphore_mem>>
        %dma_start3A = arith.constant 7808 : i32
        %dma_start3A_71 = arith.constant 0 : i32
        %dma_start3A_72 = tpu.memref_slice %arg10[%dma_start3A, %dma_start3A_71] : memref<7816x128xf32, #tpu.memory_space<vmem_shared>> -> memref<8x128xf32, #tpu.memory_space<vmem_shared>>
        %dma_start3A_73 = arith.constant 7808 : i32
        %dma_start3A_74 = arith.constant 0 : i32
        %dma_start3A_75 = tpu.memref_slice %arg4[%dma_start3A_73, %dma_start3A_74] : memref<7816x128xf32, #tpu.memory_space<hbm>> -> memref<8x128xf32, #tpu.memory_space<hbm>>
        tpu.enqueue_dma source(%dma_start3A_75 : memref<8x128xf32, #tpu.memory_space<hbm>>) target(%dma_start3A_72 : memref<8x128xf32, #tpu.memory_space<vmem_shared>>) target_semaphore(%run_scoped3A : memref<!tpu.dma_semaphore, #tpu.memory_space<semaphore_mem>>)
        %dma_wait3A = arith.constant 7808 : i32
        %dma_wait3A_76 = arith.constant 0 : i32
        %dma_wait3A_77 = tpu.memref_slice %arg10[%dma_wait3A, %dma_wait3A_76] : memref<7816x128xf32, #tpu.memory_space<vmem_shared>> -> memref<8x128xf32, #tpu.memory_space<vmem_shared>>
        %dma_wait3A_78 = arith.constant 7808 : i32
        %dma_wait3A_79 = arith.constant 0 : i32
        %dma_wait3A_80 = tpu.memref_slice %arg4[%dma_wait3A_78, %dma_wait3A_79] : memref<7816x128xf32, #tpu.memory_space<hbm>> -> memref<8x128xf32, #tpu.memory_space<hbm>>
        tpu.wait_dma2 semaphore(%run_scoped3A : memref<!tpu.dma_semaphore, #tpu.memory_space<semaphore_mem>>) src(%dma_wait3A_80 : memref<8x128xf32, #tpu.memory_space<hbm>>) dst(%dma_wait3A_77 : memref<8x128xf32, #tpu.memory_space<vmem_shared>>)
        tpu.yield
      }) : () -> ()
    } else {
    }
    %barrier3A = arith.constant 0 : index
    tpu.barrier barrier_id(%barrier3A)
    %scan3A = arith.constant 0 : i32
    %scan3A_66 = arith.constant 0 : i32
    %scan3A_67 = arith.constant 128 : i32
    %scan3A_68 = arith.addi %scan3A_66, %scan3A_67 : i32
    %scan3A_69 = arith.constant 1 : i32
    scf.for %scan3A_71 = %scan3A_66 to %scan3A_68 step %scan3A_69  : i32 {
      %mul3A_72 = arith.constant 4 : i32
      %mul3A_73 = arith.muli %scan3A_71, %mul3A_72 : i32
      %add3A_74 = arith.addi %mul3A_2, %mul3A_73 : i32
      %rem3A_75 = arith.constant 2 : i32
      %rem3A_76 = arith.remsi %scan3A_71, %rem3A_75 : i32
      %mul3A_77 = arith.constant 4 : i32
      %mul3A_78 = arith.muli %rem3A_76, %mul3A_77 : i32
      %rem3A_79 = arith.constant 2 : i32
      %rem3A_80 = arith.remsi %scan3A_71, %rem3A_79 : i32
      %eq3A_81 = arith.constant 0 : i32
      %eq3A_82 = arith.cmpi eq, %rem3A_80, %eq3A_81 : i32
      %convert_element_type3A_83 = arith.extui %eq3A_82 : i1 to i32
      %cond3A_84 = arith.constant 0 : i32
      %cond3A_85 = arith.cmpi ne, %convert_element_type3A_83, %cond3A_84 : i32
      scf.if %cond3A_85 {
        %div3A_283 = arith.constant 2 : i32
        %div3A_284 = arith.divsi %scan3A_71, %div3A_283 : i32
        %mul3A_285 = arith.constant 8 : i32
        %mul3A_286 = arith.muli %div3A_284, %mul3A_285 : i32
        %add3A_287 = arith.addi %mul3A_2, %mul3A_286 : i32
        %multiple_of3A = tpu.assume_multiple %add3A_287, 8 : i32
        "tpu.region"() ({
          %run_scoped3A_288 = tpu.sem_alloc : memref<!tpu.dma_semaphore, #tpu.memory_space<semaphore_mem>>
          %dma_start3A_289 = arith.constant 0 : i32
          %dma_start3A_290 = tpu.memref_slice %arg2[%multiple_of3A, %dma_start3A_289] : memref<16384x20xi32, #tpu.memory_space<hbm>> -> memref<8x20xi32, #tpu.memory_space<hbm>>
          %dma_start3A_291 = arith.constant 0 : i32
          %dma_start3A_292 = tpu.memref_slice %arg2[%multiple_of3A, %dma_start3A_291] : memref<16384x20xi32, #tpu.memory_space<hbm>> -> memref<8x20xi32, #tpu.memory_space<hbm>>
          tpu.enqueue_dma source(%dma_start3A_292 : memref<8x20xi32, #tpu.memory_space<hbm>>) target(%arg6 : memref<8x20xi32, #tpu.memory_space<vmem>>) target_semaphore(%run_scoped3A_288 : memref<!tpu.dma_semaphore, #tpu.memory_space<semaphore_mem>>)
          %dma_wait3A_293 = arith.constant 0 : i32
          %dma_wait3A_294 = tpu.memref_slice %arg2[%multiple_of3A, %dma_wait3A_293] : memref<16384x20xi32, #tpu.memory_space<hbm>> -> memref<8x20xi32, #tpu.memory_space<hbm>>
          %dma_wait3A_295 = arith.constant 0 : i32
          %dma_wait3A_296 = tpu.memref_slice %arg2[%multiple_of3A, %dma_wait3A_295] : memref<16384x20xi32, #tpu.memory_space<hbm>> -> memref<8x20xi32, #tpu.memory_space<hbm>>
          tpu.wait_dma2 semaphore(%run_scoped3A_288 : memref<!tpu.dma_semaphore, #tpu.memory_space<semaphore_mem>>) src(%dma_wait3A_296 : memref<8x20xi32, #tpu.memory_space<hbm>>) dst(%arg6 : memref<8x20xi32, #tpu.memory_space<vmem>>)
          tpu.yield
        }) : () -> ()
      } else {
      }
      %add3A_86 = vector.broadcast %mul3A_78 : i32 to vector<16xi32>
      %add3A_87 = arith.addi %div3A_7, %add3A_86 : vector<16xi32>
      %gather3A = tpu.vector_load_idx %arg6[%add3A_87, %rem3A_36] : memref<8x20xi32, #tpu.memory_space<vmem>>[vector<16xi32>, vector<16xi32>], vector<16xi32>,
      %shift_right_logical3A = arith.constant 7 : i32
      %shift_right_logical3A_88 = vector.broadcast %shift_right_logical3A : i32 to vector<16xi32>
      %shift_right_logical3A_89 = arith.shrui %gather3A, %shift_right_logical3A_88 : vector<16xi32>
      %swap3A = arith.constant 0 : index
      %swap3A_90 = tpu.vector_load %arg7[%swap3A] {strides = array<i32>} : memref<80xi32, #tpu.memory_space<vmem>>, vector<16xi32>,
      tpu.vector_store %arg7[%swap3A], %shift_right_logical3A_89 {strides = array<i32>} : memref<80xi32, #tpu.memory_space<vmem>>, vector<16xi32>,
      %add3A_91 = vector.broadcast %mul3A_78 : i32 to vector<16xi32>
      %add3A_92 = arith.addi %div3A_13, %add3A_91 : vector<16xi32>
      %gather3A_93 = tpu.vector_load_idx %arg6[%add3A_92, %rem3A_42] : memref<8x20xi32, #tpu.memory_space<vmem>>[vector<16xi32>, vector<16xi32>], vector<16xi32>,
      %shift_right_logical3A_94 = arith.constant 7 : i32
      %shift_right_logical3A_95 = vector.broadcast %shift_right_logical3A_94 : i32 to vector<16xi32>
      %shift_right_logical3A_96 = arith.shrui %gather3A_93, %shift_right_logical3A_95 : vector<16xi32>
      %swap3A_97 = arith.constant 16 : index
      %swap3A_98 = tpu.vector_load %arg7[%swap3A_97] {strides = array<i32>} : memref<80xi32, #tpu.memory_space<vmem>>, vector<16xi32>,
      tpu.vector_store %arg7[%swap3A_97], %shift_right_logical3A_96 {strides = array<i32>} : memref<80xi32, #tpu.memory_space<vmem>>, vector<16xi32>,
      %add3A_99 = vector.broadcast %mul3A_78 : i32 to vector<16xi32>
      %add3A_100 = arith.addi %div3A_19, %add3A_99 : vector<16xi32>
      %gather3A_101 = tpu.vector_load_idx %arg6[%add3A_100, %rem3A_48] : memref<8x20xi32, #tpu.memory_space<vmem>>[vector<16xi32>, vector<16xi32>], vector<16xi32>,
      %shift_right_logical3A_102 = arith.constant 7 : i32
      %shift_right_logical3A_103 = vector.broadcast %shift_right_logical3A_102 : i32 to vector<16xi32>
      %shift_right_logical3A_104 = arith.shrui %gather3A_101, %shift_right_logical3A_103 : vector<16xi32>
      %swap3A_105 = arith.constant 32 : index
      %swap3A_106 = tpu.vector_load %arg7[%swap3A_105] {strides = array<i32>} : memref<80xi32, #tpu.memory_space<vmem>>, vector<16xi32>,
      tpu.vector_store %arg7[%swap3A_105], %shift_right_logical3A_104 {strides = array<i32>} : memref<80xi32, #tpu.memory_space<vmem>>, vector<16xi32>,
      %add3A_107 = vector.broadcast %mul3A_78 : i32 to vector<16xi32>
      %add3A_108 = arith.addi %div3A_25, %add3A_107 : vector<16xi32>
      %gather3A_109 = tpu.vector_load_idx %arg6[%add3A_108, %rem3A_54] : memref<8x20xi32, #tpu.memory_space<vmem>>[vector<16xi32>, vector<16xi32>], vector<16xi32>,
      %shift_right_logical3A_110 = arith.constant 7 : i32
      %shift_right_logical3A_111 = vector.broadcast %shift_right_logical3A_110 : i32 to vector<16xi32>
      %shift_right_logical3A_112 = arith.shrui %gather3A_109, %shift_right_logical3A_111 : vector<16xi32>
      %swap3A_113 = arith.constant 48 : index
      %swap3A_114 = tpu.vector_load %arg7[%swap3A_113] {strides = array<i32>} : memref<80xi32, #tpu.memory_space<vmem>>, vector<16xi32>,
      tpu.vector_store %arg7[%swap3A_113], %shift_right_logical3A_112 {strides = array<i32>} : memref<80xi32, #tpu.memory_space<vmem>>, vector<16xi32>,
      %add3A_115 = vector.broadcast %mul3A_78 : i32 to vector<16xi32>
      %add3A_116 = arith.addi %div3A_31, %add3A_115 : vector<16xi32>
      %gather3A_117 = tpu.vector_load_idx %arg6[%add3A_116, %rem3A_60] : memref<8x20xi32, #tpu.memory_space<vmem>>[vector<16xi32>, vector<16xi32>], vector<16xi32>,
      %shift_right_logical3A_118 = arith.constant 7 : i32
      %shift_right_logical3A_119 = vector.broadcast %shift_right_logical3A_118 : i32 to vector<16xi32>
      %shift_right_logical3A_120 = arith.shrui %gather3A_117, %shift_right_logical3A_119 : vector<16xi32>
      %swap3A_121 = arith.constant 64 : index
      %swap3A_122 = tpu.vector_load %arg7[%swap3A_121] {strides = array<i32>} : memref<80xi32, #tpu.memory_space<vmem>>, vector<16xi32>,
      tpu.vector_store %arg7[%swap3A_121], %shift_right_logical3A_120 {strides = array<i32>} : memref<80xi32, #tpu.memory_space<vmem>>, vector<16xi32>,
      %add3A_123 = arith.constant 0 : i32
      %add3A_124 = arith.addi %mul3A_78, %add3A_123 : i32
      %dma_start3A = arith.constant 0 : i32
      %dma_start3A_125 = arith.constant 0 : i32
      %dma_start3A_126 = arith.constant 0 : i32
      %dma_start3A_127 = tpu.memref_slice %arg8[%dma_start3A, %dma_start3A_125, %dma_start3A_126] : memref<4x20x129xf32, #tpu.memory_space<vmem>> -> memref<1x20x128xf32, #tpu.memory_space<vmem>>
      %dma_start3A_128 = tpu.memref_squeeze %dma_start3A_127 : memref<1x20x128xf32, #tpu.memory_space<vmem>> -> memref<20x128xf32, #tpu.memory_space<vmem>>
      %dma_start3A_129 = arith.constant 0 : i32
      %dma_start3A_130 = tpu.memref_slice %arg6[%add3A_124, %dma_start3A_129] : memref<8x20xi32, #tpu.memory_space<vmem>> -> memref<1x20xi32, #tpu.memory_space<vmem>>
      %dma_start3A_131 = tpu.memref_squeeze %dma_start3A_130 : memref<1x20xi32, #tpu.memory_space<vmem>> -> memref<20xi32, #tpu.memory_space<vmem>>
      %dma_start3A_132 = arith.constant 0 : i32
      %dma_start3A_133 = arith.constant 0 : i32
      %dma_start3A_134 = tpu.memref_slice %arg3[%dma_start3A_132, %dma_start3A_133] : memref<1000000x129xf32, #tpu.memory_space<hbm>> -> memref<1000000x128xf32, #tpu.memory_space<hbm>>
      tpu.enqueue_indirect_dma source(%dma_start3A_134 : memref<1000000x128xf32, #tpu.memory_space<hbm>>) target(%dma_start3A_128 : memref<20x128xf32, #tpu.memory_space<vmem>>) offsets(%dma_start3A_131 : memref<20xi32, #tpu.memory_space<vmem>>) semaphore(%arg11 : memref<!tpu.dma_semaphore, #tpu.memory_space<semaphore_mem>>)
      %add3A_135 = arith.constant 1 : i32
      %add3A_136 = arith.addi %mul3A_78, %add3A_135 : i32
      %dma_start3A_137 = arith.constant 1 : i32
      %dma_start3A_138 = arith.constant 0 : i32
      %dma_start3A_139 = arith.constant 0 : i32
      %dma_start3A_140 = tpu.memref_slice %arg8[%dma_start3A_137, %dma_start3A_138, %dma_start3A_139] : memref<4x20x129xf32, #tpu.memory_space<vmem>> -> memref<1x20x128xf32, #tpu.memory_space<vmem>>
      %dma_start3A_141 = tpu.memref_squeeze %dma_start3A_140 : memref<1x20x128xf32, #tpu.memory_space<vmem>> -> memref<20x128xf32, #tpu.memory_space<vmem>>
      %dma_start3A_142 = arith.constant 0 : i32
      %dma_start3A_143 = tpu.memref_slice %arg6[%add3A_136, %dma_start3A_142] : memref<8x20xi32, #tpu.memory_space<vmem>> -> memref<1x20xi32, #tpu.memory_space<vmem>>
      %dma_start3A_144 = tpu.memref_squeeze %dma_start3A_143 : memref<1x20xi32, #tpu.memory_space<vmem>> -> memref<20xi32, #tpu.memory_space<vmem>>
      %dma_start3A_145 = arith.constant 0 : i32
      %dma_start3A_146 = arith.constant 0 : i32
      %dma_start3A_147 = tpu.memref_slice %arg3[%dma_start3A_145, %dma_start3A_146] : memref<1000000x129xf32, #tpu.memory_space<hbm>> -> memref<1000000x128xf32, #tpu.memory_space<hbm>>
      tpu.enqueue_indirect_dma source(%dma_start3A_147 : memref<1000000x128xf32, #tpu.memory_space<hbm>>) target(%dma_start3A_141 : memref<20x128xf32, #tpu.memory_space<vmem>>) offsets(%dma_start3A_144 : memref<20xi32, #tpu.memory_space<vmem>>) semaphore(%arg11 : memref<!tpu.dma_semaphore, #tpu.memory_space<semaphore_mem>>)
      %add3A_148 = arith.constant 2 : i32
      %add3A_149 = arith.addi %mul3A_78, %add3A_148 : i32
      %dma_start3A_150 = arith.constant 2 : i32
      %dma_start3A_151 = arith.constant 0 : i32
      %dma_start3A_152 = arith.constant 0 : i32
      %dma_start3A_153 = tpu.memref_slice %arg8[%dma_start3A_150, %dma_start3A_151, %dma_start3A_152] : memref<4x20x129xf32, #tpu.memory_space<vmem>> -> memref<1x20x128xf32, #tpu.memory_space<vmem>>
      %dma_start3A_154 = tpu.memref_squeeze %dma_start3A_153 : memref<1x20x128xf32, #tpu.memory_space<vmem>> -> memref<20x128xf32, #tpu.memory_space<vmem>>
      %dma_start3A_155 = arith.constant 0 : i32
      %dma_start3A_156 = tpu.memref_slice %arg6[%add3A_149, %dma_start3A_155] : memref<8x20xi32, #tpu.memory_space<vmem>> -> memref<1x20xi32, #tpu.memory_space<vmem>>
      %dma_start3A_157 = tpu.memref_squeeze %dma_start3A_156 : memref<1x20xi32, #tpu.memory_space<vmem>> -> memref<20xi32, #tpu.memory_space<vmem>>
      %dma_start3A_158 = arith.constant 0 : i32
      %dma_start3A_159 = arith.constant 0 : i32
      %dma_start3A_160 = tpu.memref_slice %arg3[%dma_start3A_158, %dma_start3A_159] : memref<1000000x129xf32, #tpu.memory_space<hbm>> -> memref<1000000x128xf32, #tpu.memory_space<hbm>>
      tpu.enqueue_indirect_dma source(%dma_start3A_160 : memref<1000000x128xf32, #tpu.memory_space<hbm>>) target(%dma_start3A_154 : memref<20x128xf32, #tpu.memory_space<vmem>>) offsets(%dma_start3A_157 : memref<20xi32, #tpu.memory_space<vmem>>) semaphore(%arg11 : memref<!tpu.dma_semaphore, #tpu.memory_space<semaphore_mem>>)
      %add3A_161 = arith.constant 3 : i32
      %add3A_162 = arith.addi %mul3A_78, %add3A_161 : i32
      %dma_start3A_163 = arith.constant 3 : i32
      %dma_start3A_164 = arith.constant 0 : i32
      %dma_start3A_165 = arith.constant 0 : i32
      %dma_start3A_166 = tpu.memref_slice %arg8[%dma_start3A_163, %dma_start3A_164, %dma_start3A_165] : memref<4x20x129xf32, #tpu.memory_space<vmem>> -> memref<1x20x128xf32, #tpu.memory_space<vmem>>
      %dma_start3A_167 = tpu.memref_squeeze %dma_start3A_166 : memref<1x20x128xf32, #tpu.memory_space<vmem>> -> memref<20x128xf32, #tpu.memory_space<vmem>>
      %dma_start3A_168 = arith.constant 0 : i32
      %dma_start3A_169 = tpu.memref_slice %arg6[%add3A_162, %dma_start3A_168] : memref<8x20xi32, #tpu.memory_space<vmem>> -> memref<1x20xi32, #tpu.memory_space<vmem>>
      %dma_start3A_170 = tpu.memref_squeeze %dma_start3A_169 : memref<1x20xi32, #tpu.memory_space<vmem>> -> memref<20xi32, #tpu.memory_space<vmem>>
      %dma_start3A_171 = arith.constant 0 : i32
      %dma_start3A_172 = arith.constant 0 : i32
      %dma_start3A_173 = tpu.memref_slice %arg3[%dma_start3A_171, %dma_start3A_172] : memref<1000000x129xf32, #tpu.memory_space<hbm>> -> memref<1000000x128xf32, #tpu.memory_space<hbm>>
      tpu.enqueue_indirect_dma source(%dma_start3A_173 : memref<1000000x128xf32, #tpu.memory_space<hbm>>) target(%dma_start3A_167 : memref<20x128xf32, #tpu.memory_space<vmem>>) offsets(%dma_start3A_170 : memref<20xi32, #tpu.memory_space<vmem>>) semaphore(%arg11 : memref<!tpu.dma_semaphore, #tpu.memory_space<semaphore_mem>>)
      %dma_start3A_174 = arith.constant 0 : i32
      %dma_start3A_175 = arith.constant 0 : i32
      %dma_start3A_176 = tpu.memref_slice %arg10[%dma_start3A_174, %dma_start3A_175] : memref<7816x128xf32, #tpu.memory_space<vmem_shared>> -> memref<7816x128xf32, #tpu.memory_space<vmem_shared>>
      tpu.enqueue_indirect_dma source(%dma_start3A_176 : memref<7816x128xf32, #tpu.memory_space<vmem_shared>>) target(%arg9 : memref<80x128xf32, #tpu.memory_space<vmem>>) offsets(%arg7 : memref<80xi32, #tpu.memory_space<vmem>>) semaphore(%arg12 : memref<!tpu.dma_semaphore, #tpu.memory_space<semaphore_mem>>)
      %dma_wait3A = arith.constant 0 : i32
      %dma_wait3A_177 = arith.constant 0 : i32
      %dma_wait3A_178 = tpu.memref_slice %arg10[%dma_wait3A, %dma_wait3A_177] : memref<7816x128xf32, #tpu.memory_space<vmem_shared>> -> memref<7816x128xf32, #tpu.memory_space<vmem_shared>>
      tpu.wait_indirect_dma semaphore(%arg12 : memref<!tpu.dma_semaphore, #tpu.memory_space<semaphore_mem>>) src(%dma_wait3A_178 : memref<7816x128xf32, #tpu.memory_space<vmem_shared>>) dst(%arg9 : memref<80x128xf32, #tpu.memory_space<vmem>>)
      %dma_wait3A_179 = arith.constant 0 : i32
      %dma_wait3A_180 = arith.constant 0 : i32
      %dma_wait3A_181 = arith.constant 0 : i32
      %dma_wait3A_182 = tpu.memref_slice %arg8[%dma_wait3A_179, %dma_wait3A_180, %dma_wait3A_181] : memref<4x20x129xf32, #tpu.memory_space<vmem>> -> memref<1x20x128xf32, #tpu.memory_space<vmem>>
      %dma_wait3A_183 = tpu.memref_squeeze %dma_wait3A_182 : memref<1x20x128xf32, #tpu.memory_space<vmem>> -> memref<20x128xf32, #tpu.memory_space<vmem>>
      %dma_wait3A_184 = arith.constant 0 : i32
      %dma_wait3A_185 = tpu.memref_slice %arg6[%add3A_124, %dma_wait3A_184] : memref<8x20xi32, #tpu.memory_space<vmem>> -> memref<1x20xi32, #tpu.memory_space<vmem>>
      %dma_wait3A_186 = tpu.memref_squeeze %dma_wait3A_185 : memref<1x20xi32, #tpu.memory_space<vmem>> -> memref<20xi32, #tpu.memory_space<vmem>>
      %dma_wait3A_187 = arith.constant 0 : i32
      %dma_wait3A_188 = arith.constant 0 : i32
      %dma_wait3A_189 = tpu.memref_slice %arg3[%dma_wait3A_187, %dma_wait3A_188] : memref<1000000x129xf32, #tpu.memory_space<hbm>> -> memref<1000000x128xf32, #tpu.memory_space<hbm>>
      tpu.wait_indirect_dma semaphore(%arg11 : memref<!tpu.dma_semaphore, #tpu.memory_space<semaphore_mem>>) src(%dma_wait3A_189 : memref<1000000x128xf32, #tpu.memory_space<hbm>>) dst(%dma_wait3A_183 : memref<20x128xf32, #tpu.memory_space<vmem>>)
      %dma_wait3A_190 = arith.constant 1 : i32
      %dma_wait3A_191 = arith.constant 0 : i32
      %dma_wait3A_192 = arith.constant 0 : i32
      %dma_wait3A_193 = tpu.memref_slice %arg8[%dma_wait3A_190, %dma_wait3A_191, %dma_wait3A_192] : memref<4x20x129xf32, #tpu.memory_space<vmem>> -> memref<1x20x128xf32, #tpu.memory_space<vmem>>
      %dma_wait3A_194 = tpu.memref_squeeze %dma_wait3A_193 : memref<1x20x128xf32, #tpu.memory_space<vmem>> -> memref<20x128xf32, #tpu.memory_space<vmem>>
      %dma_wait3A_195 = arith.constant 0 : i32
      %dma_wait3A_196 = tpu.memref_slice %arg6[%add3A_136, %dma_wait3A_195] : memref<8x20xi32, #tpu.memory_space<vmem>> -> memref<1x20xi32, #tpu.memory_space<vmem>>
      %dma_wait3A_197 = tpu.memref_squeeze %dma_wait3A_196 : memref<1x20xi32, #tpu.memory_space<vmem>> -> memref<20xi32, #tpu.memory_space<vmem>>
      %dma_wait3A_198 = arith.constant 0 : i32
      %dma_wait3A_199 = arith.constant 0 : i32
      %dma_wait3A_200 = tpu.memref_slice %arg3[%dma_wait3A_198, %dma_wait3A_199] : memref<1000000x129xf32, #tpu.memory_space<hbm>> -> memref<1000000x128xf32, #tpu.memory_space<hbm>>
      tpu.wait_indirect_dma semaphore(%arg11 : memref<!tpu.dma_semaphore, #tpu.memory_space<semaphore_mem>>) src(%dma_wait3A_200 : memref<1000000x128xf32, #tpu.memory_space<hbm>>) dst(%dma_wait3A_194 : memref<20x128xf32, #tpu.memory_space<vmem>>)
      %dma_wait3A_201 = arith.constant 2 : i32
      %dma_wait3A_202 = arith.constant 0 : i32
      %dma_wait3A_203 = arith.constant 0 : i32
      %dma_wait3A_204 = tpu.memref_slice %arg8[%dma_wait3A_201, %dma_wait3A_202, %dma_wait3A_203] : memref<4x20x129xf32, #tpu.memory_space<vmem>> -> memref<1x20x128xf32, #tpu.memory_space<vmem>>
      %dma_wait3A_205 = tpu.memref_squeeze %dma_wait3A_204 : memref<1x20x128xf32, #tpu.memory_space<vmem>> -> memref<20x128xf32, #tpu.memory_space<vmem>>
      %dma_wait3A_206 = arith.constant 0 : i32
      %dma_wait3A_207 = tpu.memref_slice %arg6[%add3A_149, %dma_wait3A_206] : memref<8x20xi32, #tpu.memory_space<vmem>> -> memref<1x20xi32, #tpu.memory_space<vmem>>
      %dma_wait3A_208 = tpu.memref_squeeze %dma_wait3A_207 : memref<1x20xi32, #tpu.memory_space<vmem>> -> memref<20xi32, #tpu.memory_space<vmem>>
      %dma_wait3A_209 = arith.constant 0 : i32
      %dma_wait3A_210 = arith.constant 0 : i32
      %dma_wait3A_211 = tpu.memref_slice %arg3[%dma_wait3A_209, %dma_wait3A_210] : memref<1000000x129xf32, #tpu.memory_space<hbm>> -> memref<1000000x128xf32, #tpu.memory_space<hbm>>
      tpu.wait_indirect_dma semaphore(%arg11 : memref<!tpu.dma_semaphore, #tpu.memory_space<semaphore_mem>>) src(%dma_wait3A_211 : memref<1000000x128xf32, #tpu.memory_space<hbm>>) dst(%dma_wait3A_205 : memref<20x128xf32, #tpu.memory_space<vmem>>)
      %dma_wait3A_212 = arith.constant 3 : i32
      %dma_wait3A_213 = arith.constant 0 : i32
      %dma_wait3A_214 = arith.constant 0 : i32
      %dma_wait3A_215 = tpu.memref_slice %arg8[%dma_wait3A_212, %dma_wait3A_213, %dma_wait3A_214] : memref<4x20x129xf32, #tpu.memory_space<vmem>> -> memref<1x20x128xf32, #tpu.memory_space<vmem>>
      %dma_wait3A_216 = tpu.memref_squeeze %dma_wait3A_215 : memref<1x20x128xf32, #tpu.memory_space<vmem>> -> memref<20x128xf32, #tpu.memory_space<vmem>>
      %dma_wait3A_217 = arith.constant 0 : i32
      %dma_wait3A_218 = tpu.memref_slice %arg6[%add3A_162, %dma_wait3A_217] : memref<8x20xi32, #tpu.memory_space<vmem>> -> memref<1x20xi32, #tpu.memory_space<vmem>>
      %dma_wait3A_219 = tpu.memref_squeeze %dma_wait3A_218 : memref<1x20xi32, #tpu.memory_space<vmem>> -> memref<20xi32, #tpu.memory_space<vmem>>
      %dma_wait3A_220 = arith.constant 0 : i32
      %dma_wait3A_221 = arith.constant 0 : i32
      %dma_wait3A_222 = tpu.memref_slice %arg3[%dma_wait3A_220, %dma_wait3A_221] : memref<1000000x129xf32, #tpu.memory_space<hbm>> -> memref<1000000x128xf32, #tpu.memory_space<hbm>>
      tpu.wait_indirect_dma semaphore(%arg11 : memref<!tpu.dma_semaphore, #tpu.memory_space<semaphore_mem>>) src(%dma_wait3A_222 : memref<1000000x128xf32, #tpu.memory_space<hbm>>) dst(%dma_wait3A_216 : memref<20x128xf32, #tpu.memory_space<vmem>>)
      %add3A_223 = vector.broadcast %mul3A_78 : i32 to vector<16xi32>
      %add3A_224 = arith.addi %div3A_7, %add3A_223 : vector<16xi32>
      %gather3A_225 = tpu.vector_load_idx %arg6[%add3A_224, %rem3A_36] : memref<8x20xi32, #tpu.memory_space<vmem>>[vector<16xi32>, vector<16xi32>], vector<16xi32>,
      %and3A = arith.constant 127 : i32
      %and3A_226 = vector.broadcast %and3A : i32 to vector<16xi32>
      %and3A_227 = arith.andi %gather3A_225, %and3A_226 : vector<16xi32>
      %add3A_228 = arith.constant 0 : i32
      %add3A_229 = vector.broadcast %add3A_228 : i32 to vector<16xi32>
      %add3A_230 = arith.addi %iota3A, %add3A_229 : vector<16xi32>
      %gather3A_231 = tpu.vector_load_idx %arg9[%add3A_230, %and3A_227] : memref<80x128xf32, #tpu.memory_space<vmem>>[vector<16xi32>, vector<16xi32>], vector<16xf32>,
      tpu.vector_store_idx %arg8[%div3A_7, %rem3A_36, %broadcast_in_dim3A_61], %gather3A_231 : memref<4x20x129xf32, #tpu.memory_space<vmem>>[vector<16xi32>, vector<16xi32>, vector<16xi32>], vector<16xf32>,
      %add3A_232 = vector.broadcast %mul3A_78 : i32 to vector<16xi32>
      %add3A_233 = arith.addi %div3A_13, %add3A_232 : vector<16xi32>
      %gather3A_234 = tpu.vector_load_idx %arg6[%add3A_233, %rem3A_42] : memref<8x20xi32, #tpu.memory_space<vmem>>[vector<16xi32>, vector<16xi32>], vector<16xi32>,
      %and3A_235 = arith.constant 127 : i32
      %and3A_236 = vector.broadcast %and3A_235 : i32 to vector<16xi32>
      %and3A_237 = arith.andi %gather3A_234, %and3A_236 : vector<16xi32>
      %add3A_238 = arith.constant 16 : i32
      %add3A_239 = vector.broadcast %add3A_238 : i32 to vector<16xi32>
      %add3A_240 = arith.addi %iota3A, %add3A_239 : vector<16xi32>
      %gather3A_241 = tpu.vector_load_idx %arg9[%add3A_240, %and3A_237] : memref<80x128xf32, #tpu.memory_space<vmem>>[vector<16xi32>, vector<16xi32>], vector<16xf32>,
      tpu.vector_store_idx %arg8[%div3A_13, %rem3A_42, %broadcast_in_dim3A_61], %gather3A_241 : memref<4x20x129xf32, #tpu.memory_space<vmem>>[vector<16xi32>, vector<16xi32>, vector<16xi32>], vector<16xf32>,
      %add3A_242 = vector.broadcast %mul3A_78 : i32 to vector<16xi32>
      %add3A_243 = arith.addi %div3A_19, %add3A_242 : vector<16xi32>
      %gather3A_244 = tpu.vector_load_idx %arg6[%add3A_243, %rem3A_48] : memref<8x20xi32, #tpu.memory_space<vmem>>[vector<16xi32>, vector<16xi32>], vector<16xi32>,
      %and3A_245 = arith.constant 127 : i32
      %and3A_246 = vector.broadcast %and3A_245 : i32 to vector<16xi32>
      %and3A_247 = arith.andi %gather3A_244, %and3A_246 : vector<16xi32>
      %add3A_248 = arith.constant 32 : i32
      %add3A_249 = vector.broadcast %add3A_248 : i32 to vector<16xi32>
      %add3A_250 = arith.addi %iota3A, %add3A_249 : vector<16xi32>
      %gather3A_251 = tpu.vector_load_idx %arg9[%add3A_250, %and3A_247] : memref<80x128xf32, #tpu.memory_space<vmem>>[vector<16xi32>, vector<16xi32>], vector<16xf32>,
      tpu.vector_store_idx %arg8[%div3A_19, %rem3A_48, %broadcast_in_dim3A_61], %gather3A_251 : memref<4x20x129xf32, #tpu.memory_space<vmem>>[vector<16xi32>, vector<16xi32>, vector<16xi32>], vector<16xf32>,
      %add3A_252 = vector.broadcast %mul3A_78 : i32 to vector<16xi32>
      %add3A_253 = arith.addi %div3A_25, %add3A_252 : vector<16xi32>
      %gather3A_254 = tpu.vector_load_idx %arg6[%add3A_253, %rem3A_54] : memref<8x20xi32, #tpu.memory_space<vmem>>[vector<16xi32>, vector<16xi32>], vector<16xi32>,
      %and3A_255 = arith.constant 127 : i32
      %and3A_256 = vector.broadcast %and3A_255 : i32 to vector<16xi32>
      %and3A_257 = arith.andi %gather3A_254, %and3A_256 : vector<16xi32>
      %add3A_258 = arith.constant 48 : i32
      %add3A_259 = vector.broadcast %add3A_258 : i32 to vector<16xi32>
      %add3A_260 = arith.addi %iota3A, %add3A_259 : vector<16xi32>
      %gather3A_261 = tpu.vector_load_idx %arg9[%add3A_260, %and3A_257] : memref<80x128xf32, #tpu.memory_space<vmem>>[vector<16xi32>, vector<16xi32>], vector<16xf32>,
      tpu.vector_store_idx %arg8[%div3A_25, %rem3A_54, %broadcast_in_dim3A_61], %gather3A_261 : memref<4x20x129xf32, #tpu.memory_space<vmem>>[vector<16xi32>, vector<16xi32>, vector<16xi32>], vector<16xf32>,
      %add3A_262 = vector.broadcast %mul3A_78 : i32 to vector<16xi32>
      %add3A_263 = arith.addi %div3A_31, %add3A_262 : vector<16xi32>
      %gather3A_264 = tpu.vector_load_idx %arg6[%add3A_263, %rem3A_60] : memref<8x20xi32, #tpu.memory_space<vmem>>[vector<16xi32>, vector<16xi32>], vector<16xi32>,
      %and3A_265 = arith.constant 127 : i32
      %and3A_266 = vector.broadcast %and3A_265 : i32 to vector<16xi32>
      %and3A_267 = arith.andi %gather3A_264, %and3A_266 : vector<16xi32>
      %add3A_268 = arith.constant 64 : i32
      %add3A_269 = vector.broadcast %add3A_268 : i32 to vector<16xi32>
      %add3A_270 = arith.addi %iota3A, %add3A_269 : vector<16xi32>
      %gather3A_271 = tpu.vector_load_idx %arg9[%add3A_270, %and3A_267] : memref<80x128xf32, #tpu.memory_space<vmem>>[vector<16xi32>, vector<16xi32>], vector<16xf32>,
      tpu.vector_store_idx %arg8[%div3A_31, %rem3A_60, %broadcast_in_dim3A_61], %gather3A_271 : memref<4x20x129xf32, #tpu.memory_space<vmem>>[vector<16xi32>, vector<16xi32>, vector<16xi32>], vector<16xf32>,
      %add3A_272 = arith.constant 0 : i32
      %add3A_273 = arith.addi %add3A_74, %add3A_272 : i32
      %run_scoped3A = arith.constant 0 : i32
      "tpu.region"() ({
        %run_scoped3A_283 = tpu.sem_alloc : memref<!tpu.dma_semaphore, #tpu.memory_space<semaphore_mem>>
        %dma_start3A_284 = arith.constant 0 : i32
        %dma_start3A_285 = arith.constant 0 : i32
        %dma_start3A_286 = tpu.memref_slice %arg8[%run_scoped3A, %dma_start3A_284, %dma_start3A_285] : memref<4x20x129xf32, #tpu.memory_space<vmem>> -> memref<1x20x129xf32, #tpu.memory_space<vmem>>
        %dma_start3A_287 = tpu.memref_squeeze %dma_start3A_286 : memref<1x20x129xf32, #tpu.memory_space<vmem>> -> memref<20x129xf32, #tpu.memory_space<vmem>>
        %dma_start3A_288 = arith.constant 0 : i32
        %dma_start3A_289 = arith.constant 0 : i32
        %dma_start3A_290 = tpu.memref_slice %arg5[%add3A_273, %dma_start3A_288, %dma_start3A_289] : memref<16384x20x129xf32, #tpu.memory_space<hbm>> -> memref<1x20x129xf32, #tpu.memory_space<hbm>>
        %dma_start3A_291 = tpu.memref_squeeze %dma_start3A_290 : memref<1x20x129xf32, #tpu.memory_space<hbm>> -> memref<20x129xf32, #tpu.memory_space<hbm>>
        %dma_start3A_292 = arith.constant 0 : i32
        %dma_start3A_293 = arith.constant 0 : i32
        %dma_start3A_294 = tpu.memref_slice %arg5[%add3A_273, %dma_start3A_292, %dma_start3A_293] : memref<16384x20x129xf32, #tpu.memory_space<hbm>> -> memref<1x20x129xf32, #tpu.memory_space<hbm>>
        %dma_start3A_295 = tpu.memref_squeeze %dma_start3A_294 : memref<1x20x129xf32, #tpu.memory_space<hbm>> -> memref<20x129xf32, #tpu.memory_space<hbm>>
        %dma_start3A_296 = arith.constant 0 : i32
        %dma_start3A_297 = arith.constant 0 : i32
        %dma_start3A_298 = tpu.memref_slice %arg8[%run_scoped3A, %dma_start3A_296, %dma_start3A_297] : memref<4x20x129xf32, #tpu.memory_space<vmem>> -> memref<1x20x129xf32, #tpu.memory_space<vmem>>
        %dma_start3A_299 = tpu.memref_squeeze %dma_start3A_298 : memref<1x20x129xf32, #tpu.memory_space<vmem>> -> memref<20x129xf32, #tpu.memory_space<vmem>>
        tpu.enqueue_dma source(%dma_start3A_299 : memref<20x129xf32, #tpu.memory_space<vmem>>) target(%dma_start3A_295 : memref<20x129xf32, #tpu.memory_space<hbm>>) target_semaphore(%run_scoped3A_283 : memref<!tpu.dma_semaphore, #tpu.memory_space<semaphore_mem>>)
        %dma_wait3A_300 = arith.constant 0 : i32
        %dma_wait3A_301 = arith.constant 0 : i32
        %dma_wait3A_302 = tpu.memref_slice %arg8[%run_scoped3A, %dma_wait3A_300, %dma_wait3A_301] : memref<4x20x129xf32, #tpu.memory_space<vmem>> -> memref<1x20x129xf32, #tpu.memory_space<vmem>>
        %dma_wait3A_303 = tpu.memref_squeeze %dma_wait3A_302 : memref<1x20x129xf32, #tpu.memory_space<vmem>> -> memref<20x129xf32, #tpu.memory_space<vmem>>
        %dma_wait3A_304 = arith.constant 0 : i32
        %dma_wait3A_305 = arith.constant 0 : i32
        %dma_wait3A_306 = tpu.memref_slice %arg5[%add3A_273, %dma_wait3A_304, %dma_wait3A_305] : memref<16384x20x129xf32, #tpu.memory_space<hbm>> -> memref<1x20x129xf32, #tpu.memory_space<hbm>>
        %dma_wait3A_307 = tpu.memref_squeeze %dma_wait3A_306 : memref<1x20x129xf32, #tpu.memory_space<hbm>> -> memref<20x129xf32, #tpu.memory_space<hbm>>
        %dma_wait3A_308 = arith.constant 0 : i32
        %dma_wait3A_309 = arith.constant 0 : i32
        %dma_wait3A_310 = tpu.memref_slice %arg5[%add3A_273, %dma_wait3A_308, %dma_wait3A_309] : memref<16384x20x129xf32, #tpu.memory_space<hbm>> -> memref<1x20x129xf32, #tpu.memory_space<hbm>>
        %dma_wait3A_311 = tpu.memref_squeeze %dma_wait3A_310 : memref<1x20x129xf32, #tpu.memory_space<hbm>> -> memref<20x129xf32, #tpu.memory_space<hbm>>
        %dma_wait3A_312 = arith.constant 0 : i32
        %dma_wait3A_313 = arith.constant 0 : i32
        %dma_wait3A_314 = tpu.memref_slice %arg8[%run_scoped3A, %dma_wait3A_312, %dma_wait3A_313] : memref<4x20x129xf32, #tpu.memory_space<vmem>> -> memref<1x20x129xf32, #tpu.memory_space<vmem>>
        %dma_wait3A_315 = tpu.memref_squeeze %dma_wait3A_314 : memref<1x20x129xf32, #tpu.memory_space<vmem>> -> memref<20x129xf32, #tpu.memory_space<vmem>>
        tpu.wait_dma2 semaphore(%run_scoped3A_283 : memref<!tpu.dma_semaphore, #tpu.memory_space<semaphore_mem>>) src(%dma_wait3A_315 : memref<20x129xf32, #tpu.memory_space<vmem>>) dst(%dma_wait3A_311 : memref<20x129xf32, #tpu.memory_space<hbm>>)
        tpu.yield
      }) : () -> ()
      %add3A_274 = arith.constant 1 : i32
      %add3A_275 = arith.addi %add3A_74, %add3A_274 : i32
      %run_scoped3A_276 = arith.constant 1 : i32
      "tpu.region"() ({
        %run_scoped3A_283 = tpu.sem_alloc : memref<!tpu.dma_semaphore, #tpu.memory_space<semaphore_mem>>
        %dma_start3A_284 = arith.constant 0 : i32
        %dma_start3A_285 = arith.constant 0 : i32
        %dma_start3A_286 = tpu.memref_slice %arg8[%run_scoped3A_276, %dma_start3A_284, %dma_start3A_285] : memref<4x20x129xf32, #tpu.memory_space<vmem>> -> memref<1x20x129xf32, #tpu.memory_space<vmem>>
        %dma_start3A_287 = tpu.memref_squeeze %dma_start3A_286 : memref<1x20x129xf32, #tpu.memory_space<vmem>> -> memref<20x129xf32, #tpu.memory_space<vmem>>
        %dma_start3A_288 = arith.constant 0 : i32
        %dma_start3A_289 = arith.constant 0 : i32
        %dma_start3A_290 = tpu.memref_slice %arg5[%add3A_275, %dma_start3A_288, %dma_start3A_289] : memref<16384x20x129xf32, #tpu.memory_space<hbm>> -> memref<1x20x129xf32, #tpu.memory_space<hbm>>
        %dma_start3A_291 = tpu.memref_squeeze %dma_start3A_290 : memref<1x20x129xf32, #tpu.memory_space<hbm>> -> memref<20x129xf32, #tpu.memory_space<hbm>>
        %dma_start3A_292 = arith.constant 0 : i32
        %dma_start3A_293 = arith.constant 0 : i32
        %dma_start3A_294 = tpu.memref_slice %arg5[%add3A_275, %dma_start3A_292, %dma_start3A_293] : memref<16384x20x129xf32, #tpu.memory_space<hbm>> -> memref<1x20x129xf32, #tpu.memory_space<hbm>>
        %dma_start3A_295 = tpu.memref_squeeze %dma_start3A_294 : memref<1x20x129xf32, #tpu.memory_space<hbm>> -> memref<20x129xf32, #tpu.memory_space<hbm>>
        %dma_start3A_296 = arith.constant 0 : i32
        %dma_start3A_297 = arith.constant 0 : i32
        %dma_start3A_298 = tpu.memref_slice %arg8[%run_scoped3A_276, %dma_start3A_296, %dma_start3A_297] : memref<4x20x129xf32, #tpu.memory_space<vmem>> -> memref<1x20x129xf32, #tpu.memory_space<vmem>>
        %dma_start3A_299 = tpu.memref_squeeze %dma_start3A_298 : memref<1x20x129xf32, #tpu.memory_space<vmem>> -> memref<20x129xf32, #tpu.memory_space<vmem>>
        tpu.enqueue_dma source(%dma_start3A_299 : memref<20x129xf32, #tpu.memory_space<vmem>>) target(%dma_start3A_295 : memref<20x129xf32, #tpu.memory_space<hbm>>) target_semaphore(%run_scoped3A_283 : memref<!tpu.dma_semaphore, #tpu.memory_space<semaphore_mem>>)
        %dma_wait3A_300 = arith.constant 0 : i32
        %dma_wait3A_301 = arith.constant 0 : i32
        %dma_wait3A_302 = tpu.memref_slice %arg8[%run_scoped3A_276, %dma_wait3A_300, %dma_wait3A_301] : memref<4x20x129xf32, #tpu.memory_space<vmem>> -> memref<1x20x129xf32, #tpu.memory_space<vmem>>
        %dma_wait3A_303 = tpu.memref_squeeze %dma_wait3A_302 : memref<1x20x129xf32, #tpu.memory_space<vmem>> -> memref<20x129xf32, #tpu.memory_space<vmem>>
        %dma_wait3A_304 = arith.constant 0 : i32
        %dma_wait3A_305 = arith.constant 0 : i32
        %dma_wait3A_306 = tpu.memref_slice %arg5[%add3A_275, %dma_wait3A_304, %dma_wait3A_305] : memref<16384x20x129xf32, #tpu.memory_space<hbm>> -> memref<1x20x129xf32, #tpu.memory_space<hbm>>
        %dma_wait3A_307 = tpu.memref_squeeze %dma_wait3A_306 : memref<1x20x129xf32, #tpu.memory_space<hbm>> -> memref<20x129xf32, #tpu.memory_space<hbm>>
        %dma_wait3A_308 = arith.constant 0 : i32
        %dma_wait3A_309 = arith.constant 0 : i32
        %dma_wait3A_310 = tpu.memref_slice %arg5[%add3A_275, %dma_wait3A_308, %dma_wait3A_309] : memref<16384x20x129xf32, #tpu.memory_space<hbm>> -> memref<1x20x129xf32, #tpu.memory_space<hbm>>
        %dma_wait3A_311 = tpu.memref_squeeze %dma_wait3A_310 : memref<1x20x129xf32, #tpu.memory_space<hbm>> -> memref<20x129xf32, #tpu.memory_space<hbm>>
        %dma_wait3A_312 = arith.constant 0 : i32
        %dma_wait3A_313 = arith.constant 0 : i32
        %dma_wait3A_314 = tpu.memref_slice %arg8[%run_scoped3A_276, %dma_wait3A_312, %dma_wait3A_313] : memref<4x20x129xf32, #tpu.memory_space<vmem>> -> memref<1x20x129xf32, #tpu.memory_space<vmem>>
        %dma_wait3A_315 = tpu.memref_squeeze %dma_wait3A_314 : memref<1x20x129xf32, #tpu.memory_space<vmem>> -> memref<20x129xf32, #tpu.memory_space<vmem>>
        tpu.wait_dma2 semaphore(%run_scoped3A_283 : memref<!tpu.dma_semaphore, #tpu.memory_space<semaphore_mem>>) src(%dma_wait3A_315 : memref<20x129xf32, #tpu.memory_space<vmem>>) dst(%dma_wait3A_311 : memref<20x129xf32, #tpu.memory_space<hbm>>)
        tpu.yield
      }) : () -> ()
      %add3A_277 = arith.constant 2 : i32
      %add3A_278 = arith.addi %add3A_74, %add3A_277 : i32
      %run_scoped3A_279 = arith.constant 2 : i32
      "tpu.region"() ({
        %run_scoped3A_283 = tpu.sem_alloc : memref<!tpu.dma_semaphore, #tpu.memory_space<semaphore_mem>>
        %dma_start3A_284 = arith.constant 0 : i32
        %dma_start3A_285 = arith.constant 0 : i32
        %dma_start3A_286 = tpu.memref_slice %arg8[%run_scoped3A_279, %dma_start3A_284, %dma_start3A_285] : memref<4x20x129xf32, #tpu.memory_space<vmem>> -> memref<1x20x129xf32, #tpu.memory_space<vmem>>
        %dma_start3A_287 = tpu.memref_squeeze %dma_start3A_286 : memref<1x20x129xf32, #tpu.memory_space<vmem>> -> memref<20x129xf32, #tpu.memory_space<vmem>>
        %dma_start3A_288 = arith.constant 0 : i32
        %dma_start3A_289 = arith.constant 0 : i32
        %dma_start3A_290 = tpu.memref_slice %arg5[%add3A_278, %dma_start3A_288, %dma_start3A_289] : memref<16384x20x129xf32, #tpu.memory_space<hbm>> -> memref<1x20x129xf32, #tpu.memory_space<hbm>>
        %dma_start3A_291 = tpu.memref_squeeze %dma_start3A_290 : memref<1x20x129xf32, #tpu.memory_space<hbm>> -> memref<20x129xf32, #tpu.memory_space<hbm>>
        %dma_start3A_292 = arith.constant 0 : i32
        %dma_start3A_293 = arith.constant 0 : i32
        %dma_start3A_294 = tpu.memref_slice %arg5[%add3A_278, %dma_start3A_292, %dma_start3A_293] : memref<16384x20x129xf32, #tpu.memory_space<hbm>> -> memref<1x20x129xf32, #tpu.memory_space<hbm>>
        %dma_start3A_295 = tpu.memref_squeeze %dma_start3A_294 : memref<1x20x129xf32, #tpu.memory_space<hbm>> -> memref<20x129xf32, #tpu.memory_space<hbm>>
        %dma_start3A_296 = arith.constant 0 : i32
        %dma_start3A_297 = arith.constant 0 : i32
        %dma_start3A_298 = tpu.memref_slice %arg8[%run_scoped3A_279, %dma_start3A_296, %dma_start3A_297] : memref<4x20x129xf32, #tpu.memory_space<vmem>> -> memref<1x20x129xf32, #tpu.memory_space<vmem>>
        %dma_start3A_299 = tpu.memref_squeeze %dma_start3A_298 : memref<1x20x129xf32, #tpu.memory_space<vmem>> -> memref<20x129xf32, #tpu.memory_space<vmem>>
        tpu.enqueue_dma source(%dma_start3A_299 : memref<20x129xf32, #tpu.memory_space<vmem>>) target(%dma_start3A_295 : memref<20x129xf32, #tpu.memory_space<hbm>>) target_semaphore(%run_scoped3A_283 : memref<!tpu.dma_semaphore, #tpu.memory_space<semaphore_mem>>)
        %dma_wait3A_300 = arith.constant 0 : i32
        %dma_wait3A_301 = arith.constant 0 : i32
        %dma_wait3A_302 = tpu.memref_slice %arg8[%run_scoped3A_279, %dma_wait3A_300, %dma_wait3A_301] : memref<4x20x129xf32, #tpu.memory_space<vmem>> -> memref<1x20x129xf32, #tpu.memory_space<vmem>>
        %dma_wait3A_303 = tpu.memref_squeeze %dma_wait3A_302 : memref<1x20x129xf32, #tpu.memory_space<vmem>> -> memref<20x129xf32, #tpu.memory_space<vmem>>
        %dma_wait3A_304 = arith.constant 0 : i32
        %dma_wait3A_305 = arith.constant 0 : i32
        %dma_wait3A_306 = tpu.memref_slice %arg5[%add3A_278, %dma_wait3A_304, %dma_wait3A_305] : memref<16384x20x129xf32, #tpu.memory_space<hbm>> -> memref<1x20x129xf32, #tpu.memory_space<hbm>>
        %dma_wait3A_307 = tpu.memref_squeeze %dma_wait3A_306 : memref<1x20x129xf32, #tpu.memory_space<hbm>> -> memref<20x129xf32, #tpu.memory_space<hbm>>
        %dma_wait3A_308 = arith.constant 0 : i32
        %dma_wait3A_309 = arith.constant 0 : i32
        %dma_wait3A_310 = tpu.memref_slice %arg5[%add3A_278, %dma_wait3A_308, %dma_wait3A_309] : memref<16384x20x129xf32, #tpu.memory_space<hbm>> -> memref<1x20x129xf32, #tpu.memory_space<hbm>>
        %dma_wait3A_311 = tpu.memref_squeeze %dma_wait3A_310 : memref<1x20x129xf32, #tpu.memory_space<hbm>> -> memref<20x129xf32, #tpu.memory_space<hbm>>
        %dma_wait3A_312 = arith.constant 0 : i32
        %dma_wait3A_313 = arith.constant 0 : i32
        %dma_wait3A_314 = tpu.memref_slice %arg8[%run_scoped3A_279, %dma_wait3A_312, %dma_wait3A_313] : memref<4x20x129xf32, #tpu.memory_space<vmem>> -> memref<1x20x129xf32, #tpu.memory_space<vmem>>
        %dma_wait3A_315 = tpu.memref_squeeze %dma_wait3A_314 : memref<1x20x129xf32, #tpu.memory_space<vmem>> -> memref<20x129xf32, #tpu.memory_space<vmem>>
        tpu.wait_dma2 semaphore(%run_scoped3A_283 : memref<!tpu.dma_semaphore, #tpu.memory_space<semaphore_mem>>) src(%dma_wait3A_315 : memref<20x129xf32, #tpu.memory_space<vmem>>) dst(%dma_wait3A_311 : memref<20x129xf32, #tpu.memory_space<hbm>>)
        tpu.yield
      }) : () -> ()
      %add3A_280 = arith.constant 3 : i32
      %add3A_281 = arith.addi %add3A_74, %add3A_280 : i32
      %run_scoped3A_282 = arith.constant 3 : i32
      "tpu.region"() ({
        %run_scoped3A_283 = tpu.sem_alloc : memref<!tpu.dma_semaphore, #tpu.memory_space<semaphore_mem>>
        %dma_start3A_284 = arith.constant 0 : i32
        %dma_start3A_285 = arith.constant 0 : i32
        %dma_start3A_286 = tpu.memref_slice %arg8[%run_scoped3A_282, %dma_start3A_284, %dma_start3A_285] : memref<4x20x129xf32, #tpu.memory_space<vmem>> -> memref<1x20x129xf32, #tpu.memory_space<vmem>>
        %dma_start3A_287 = tpu.memref_squeeze %dma_start3A_286 : memref<1x20x129xf32, #tpu.memory_space<vmem>> -> memref<20x129xf32, #tpu.memory_space<vmem>>
        %dma_start3A_288 = arith.constant 0 : i32
        %dma_start3A_289 = arith.constant 0 : i32
        %dma_start3A_290 = tpu.memref_slice %arg5[%add3A_281, %dma_start3A_288, %dma_start3A_289] : memref<16384x20x129xf32, #tpu.memory_space<hbm>> -> memref<1x20x129xf32, #tpu.memory_space<hbm>>
        %dma_start3A_291 = tpu.memref_squeeze %dma_start3A_290 : memref<1x20x129xf32, #tpu.memory_space<hbm>> -> memref<20x129xf32, #tpu.memory_space<hbm>>
        %dma_start3A_292 = arith.constant 0 : i32
        %dma_start3A_293 = arith.constant 0 : i32
        %dma_start3A_294 = tpu.memref_slice %arg5[%add3A_281, %dma_start3A_292, %dma_start3A_293] : memref<16384x20x129xf32, #tpu.memory_space<hbm>> -> memref<1x20x129xf32, #tpu.memory_space<hbm>>
        %dma_start3A_295 = tpu.memref_squeeze %dma_start3A_294 : memref<1x20x129xf32, #tpu.memory_space<hbm>> -> memref<20x129xf32, #tpu.memory_space<hbm>>
        %dma_start3A_296 = arith.constant 0 : i32
        %dma_start3A_297 = arith.constant 0 : i32
        %dma_start3A_298 = tpu.memref_slice %arg8[%run_scoped3A_282, %dma_start3A_296, %dma_start3A_297] : memref<4x20x129xf32, #tpu.memory_space<vmem>> -> memref<1x20x129xf32, #tpu.memory_space<vmem>>
        %dma_start3A_299 = tpu.memref_squeeze %dma_start3A_298 : memref<1x20x129xf32, #tpu.memory_space<vmem>> -> memref<20x129xf32, #tpu.memory_space<vmem>>
        tpu.enqueue_dma source(%dma_start3A_299 : memref<20x129xf32, #tpu.memory_space<vmem>>) target(%dma_start3A_295 : memref<20x129xf32, #tpu.memory_space<hbm>>) target_semaphore(%run_scoped3A_283 : memref<!tpu.dma_semaphore, #tpu.memory_space<semaphore_mem>>)
        %dma_wait3A_300 = arith.constant 0 : i32
        %dma_wait3A_301 = arith.constant 0 : i32
        %dma_wait3A_302 = tpu.memref_slice %arg8[%run_scoped3A_282, %dma_wait3A_300, %dma_wait3A_301] : memref<4x20x129xf32, #tpu.memory_space<vmem>> -> memref<1x20x129xf32, #tpu.memory_space<vmem>>
        %dma_wait3A_303 = tpu.memref_squeeze %dma_wait3A_302 : memref<1x20x129xf32, #tpu.memory_space<vmem>> -> memref<20x129xf32, #tpu.memory_space<vmem>>
        %dma_wait3A_304 = arith.constant 0 : i32
        %dma_wait3A_305 = arith.constant 0 : i32
        %dma_wait3A_306 = tpu.memref_slice %arg5[%add3A_281, %dma_wait3A_304, %dma_wait3A_305] : memref<16384x20x129xf32, #tpu.memory_space<hbm>> -> memref<1x20x129xf32, #tpu.memory_space<hbm>>
        %dma_wait3A_307 = tpu.memref_squeeze %dma_wait3A_306 : memref<1x20x129xf32, #tpu.memory_space<hbm>> -> memref<20x129xf32, #tpu.memory_space<hbm>>
        %dma_wait3A_308 = arith.constant 0 : i32
        %dma_wait3A_309 = arith.constant 0 : i32
        %dma_wait3A_310 = tpu.memref_slice %arg5[%add3A_281, %dma_wait3A_308, %dma_wait3A_309] : memref<16384x20x129xf32, #tpu.memory_space<hbm>> -> memref<1x20x129xf32, #tpu.memory_space<hbm>>
        %dma_wait3A_311 = tpu.memref_squeeze %dma_wait3A_310 : memref<1x20x129xf32, #tpu.memory_space<hbm>> -> memref<20x129xf32, #tpu.memory_space<hbm>>
        %dma_wait3A_312 = arith.constant 0 : i32
        %dma_wait3A_313 = arith.constant 0 : i32
        %dma_wait3A_314 = tpu.memref_slice %arg8[%run_scoped3A_282, %dma_wait3A_312, %dma_wait3A_313] : memref<4x20x129xf32, #tpu.memory_space<vmem>> -> memref<1x20x129xf32, #tpu.memory_space<vmem>>
        %dma_wait3A_315 = tpu.memref_squeeze %dma_wait3A_314 : memref<1x20x129xf32, #tpu.memory_space<vmem>> -> memref<20x129xf32, #tpu.memory_space<vmem>>
        tpu.wait_dma2 semaphore(%run_scoped3A_283 : memref<!tpu.dma_semaphore, #tpu.memory_space<semaphore_mem>>) src(%dma_wait3A_315 : memref<20x129xf32, #tpu.memory_space<vmem>>) dst(%dma_wait3A_311 : memref<20x129xf32, #tpu.memory_space<hbm>>)
        tpu.yield
      }) : () -> ()
    }
    %scan3A_70 = arith.constant 128 : i32
    return
  }
}

</mosaic_0001>

<sc_bundles>
// kernel: _lookup.3.cloned.1.call-start
scs
__scs_entry_jumppad:
0x0: {  	(pc) =	sbr.rel $0x88, $3  }
0x1: {  	(tag) =	ssettag $0x0;
	lr =	simm.s32 $0x1  }
0x2: {  	[smem:$0x3F9E] =	sst lr;
	_ =	strace $0xD0000000  }
0x3: {  	_ = 	snop  }
0x4: {  	_ = 	snop  }
0x5: {  	_ = 	snop  }
0x6: {  	_ = 	snop  }
0x7: {  	_ = 	snop  }
__scs_overlays_trampoline_lowered:
0x8: {  	[smem:$0x3FAD] =	sst s0  }
0x9: {  	[smem:$0x3FAE] =	sst s1  }
0xa: {  	[smem:$0x3FAF] =	sst s2  }
0xb: {  	[smem:$0x3FB0] =	sst s3  }
0xc: {  	[smem:$0x3FB1] =	sst s4  }
0xd: {  	[smem:$0x3FB2] =	sst s5  }
0xe: {  	[smem:$0x3FB3] =	sst s6  }
0xf: {  	[smem:$0x3FB4] =	sst s7  }
0x10: {  	[smem:$0x3FB5] =	sst s8  }
0x11: {  	[smem:$0x3FB6] =	sst s9;
	s0 =	simm.s32 @!p0 $0x0  }
0x12: {  	s1 =	sld [smem:$0x3F9C];
	s0 =	simm.s32 @p0 $0x1  }
0x13: {  	[smem:$0x3FB7] =	sst s0;
	s0 =	simm.s32 @!p1 $0x0  }
0x14: {  	s2 =	sld [smem:$0x3F9B];
	s0 =	simm.s32 @p1 $0x1  }
0x15: {  	[smem:$0x3FB8] =	sst s0;
	s0 =	simm.s32 @!p2 $0x0  }
0x16: {  	s3 =	sld [smem:$0x3FDB];
	s0 =	simm.s32 @p2 $0x1  }
0x17: {  	s4 =	simm.s32 $0x1BF5;
	[smem:$0x3FBA] =	sst s0  }
0x18: {  	s0 =	sld [smem:$0x3F9D];
	_ =	swait.ge [sflag:s4], $0x0  }
0x19: {  	s7 =	sld [smem:$0x3F9E]  }
0x1a: {  	s8 =	sadd.s32 $0xFFFFE003, lr  }
0x1b: {  	s9 =	sadd.s32 $0xFFFFFEF7, lr;
	s5 =	simm.s32 $0xFFFFFFFF;
	p2 =	slt.u32 s8, $0xFFFFF086  }
0x1c: {  	p1 =	slt.u32 s9, $0xF7A;
	s5 =	simm.s32 @!p2 $0x0  }
0x1d: {  	s5 =	simm.s32 @p1 $0x1;
	p0 =	seq.s32 s7, s2  }
0x1e: {  	s7 =	smul.u32 @!p0 $0xF7A, s2;
	p2 =	seq.s32 @!p0 s5, $0x0  }
0x1f: {  	s9 =	smul.u32 $0xF7A, s1;
	s8 =	simm.s32 @!p0 $0x1BF5;
	p2 =	por !p2, p0  }
0x20: {  	[sflag:s8] =	ssyncset.s32 @!p0 $0xFFFFF086;
	s6 =	sadd.s32 @!p0 s3, s7;
	s7 =	simm.s32 @!p0 $0x108  }
0x21: {  	s3 =	sadd.s32 s3, s9;
	s6 =	sadd.s32 @!p0 $0x88, s6;
	s7 =	simm.s32 @p2 $0x1082  }
0x22: {  	[simem:s7], [sflag:s8] =	dma.local @!p0 [hbm:s6], $0xF7A  }
0x23: {  	s9 =	sor.u32 $0xD0000000, s2;
	s6 =	simm.s32 $0x108;
	_ =	swait.ge @!p0 [sflag:s8], $0x0  }
0x24: {  	s3 =	sadd.s32 $0x88, s3;
	s6 =	simm.s32 @!p1 $0x1082;
	[sflag:s4] =	ssyncset.s32 $0xFFFFF086  }
0x25: {  	[simem:s6], [sflag:s4] =	dma.local [hbm:s3], $0xF7A  }
0x26: {  	[smem:$0x3F9E] =	sst s1;
	(tag) =	ssettag s2;
	_ =	strace s9  }
0x27: {  	s1 =	sld [smem:$0x3FAE]  }
0x28: {  	s2 =	sld [smem:$0x3FAF]  }
0x29: {  	s4 =	sld [smem:$0x3FB1]  }
0x2a: {  	p0 =	seq.s32 s5, $0x0;
	s5 =	sld [smem:$0x3FB2]  }
0x2b: {  	s6 =	sld [smem:$0x3FB3]  }
0x2c: {  	s7 =	sld [smem:$0x3FB4]  }
0x2d: {  	s3 =	simm.s32 $0x108;
	s8 =	sld [smem:$0x3FB5]  }
0x2e: {  	s3 =	simm.s32 @!p0 $0x1082;
	s9 =	sld [smem:$0x3FB6]  }
0x2f: {  	lr =	sadd.s32 s0, s3;
	s0 =	sld [smem:$0x3FAD]  }
0x30: {  	s3 =	sld [smem:$0x3FB0]  }
0x31: {  	[smem:$0x3FB9] =	sst s10  }
0x32: {  	s10 =	sld [smem:$0x3FB7];
	_ =	sdelay $0x3  }
0x33: {  	p0 =	seq.s32 s10, $0x1;
	s10 =	sld [smem:$0x3FB9];
	_ =	sdelay $0x3  }
0x34: {  	[smem:$0x3FB9] =	sst s10  }
0x35: {  	s10 =	sld [smem:$0x3FB8];
	_ =	sdelay $0x3  }
0x36: {  	p1 =	seq.s32 s10, $0x1;
	s10 =	sld [smem:$0x3FB9];
	_ =	sdelay $0x3  }
0x37: {  	[smem:$0x3FB9] =	sst s10  }
0x38: {  	s10 =	sld [smem:$0x3FBA]  }
0x39: {  	_ = 	snop;
	(pc) =	sbr.ind lr, $3  }
0x3a: {  	_ = 	snop  }
0x3b: {  	_ = 	snop  }
0x3c: {  	p2 =	seq.s32 s10, $0x1;
	s10 =	sld [smem:$0x3FB9]  }
0x3d: {  	_ =	shalt  }
0x3e: {  	_ =	shalt  }
0x3f: {  	_ =	shalt  }
0x40: {  	_ =	shalt  }
0x41: {  	_ =	shalt  }
0x42: {  	_ =	shalt  }
0x43: {  	_ =	shalt  }
0x44: {  	_ =	shalt  }
0x45: {  	_ =	shalt  }
0x46: {  	_ =	shalt  }
0x47: {  	_ =	shalt  }
0x48: {  	_ =	shalt  }
0x49: {  	_ =	shalt  }
0x4a: {  	_ =	shalt  }
0x4b: {  	_ =	shalt  }
0x4c: {  	_ =	shalt  }
0x4d: {  	_ =	shalt  }
0x4e: {  	_ =	shalt  }
0x4f: {  	_ =	shalt  }
0x50: {  	_ =	shalt  }
0x51: {  	_ =	shalt  }
0x52: {  	_ =	shalt  }
0x53: {  	_ =	shalt  }
0x54: {  	_ =	shalt  }
0x55: {  	_ =	shalt  }
0x56: {  	_ =	shalt  }
0x57: {  	_ =	shalt  }
0x58: {  	_ =	shalt  }
0x59: {  	_ =	shalt  }
0x5a: {  	_ =	shalt  }
0x5b: {  	_ =	shalt  }
0x5c: {  	_ =	shalt  }
0x5d: {  	_ =	shalt  }
0x5e: {  	_ =	shalt  }
0x5f: {  	_ =	shalt  }
0x60: {  	_ =	shalt  }
0x61: {  	_ =	shalt  }
0x62: {  	_ =	shalt  }
0x63: {  	_ =	shalt  }
0x64: {  	_ =	shalt  }
0x65: {  	_ =	shalt  }
0x66: {  	_ =	shalt  }
0x67: {  	_ =	shalt  }
0x68: {  	_ =	shalt  }
0x69: {  	_ =	shalt  }
0x6a: {  	_ =	shalt  }
0x6b: {  	_ =	shalt  }
0x6c: {  	_ =	shalt  }
0x6d: {  	_ =	shalt  }
0x6e: {  	_ =	shalt  }
0x6f: {  	_ =	shalt  }
0x70: {  	_ =	shalt  }
0x71: {  	_ =	shalt  }
0x72: {  	_ =	shalt  }
0x73: {  	_ =	shalt  }
0x74: {  	_ =	shalt  }
0x75: {  	_ =	shalt  }
0x76: {  	_ =	shalt  }
0x77: {  	_ =	shalt  }
0x78: {  	_ =	shalt  }
0x79: {  	_ =	shalt  }
0x7a: {  	_ =	shalt  }
0x7b: {  	_ =	shalt  }
0x7c: {  	_ =	shalt  }
0x7d: {  	_ =	shalt  }
0x7e: {  	_ =	shalt  }
0x7f: {  	_ =	shalt  }
0x80: {  	_ =	shalt  }
0x81: {  	_ =	shalt  }
0x82: {  	_ =	shalt  }
0x83: {  	_ =	shalt  }
0x84: {  	_ =	shalt  }
0x85: {  	_ =	shalt  }
0x86: {  	_ =	shalt  }
0x87: {  	_ =	shalt  }
.Lfunc_end0:
.L_simem_size_0:
called_computation_lowered:
.L_overlay_start_0:
0x88: {  	s2 =	sld [smem:$0x3FD9]  }
0x89: {  	s3 =	sld [smem:$0x3FFE];
	_ =	sdelay $0x1  }
0x8a: {  	s1 =	srdreg.scid  }
0x8b: {  	s0 =	sand.u32 $0x1, s1  }
0x8c: {  	s17 =	sshll.u32 s0, $0xA;
	s2 =	sadd.s32 s3, s2  }
0x8d: {  	s2 =	sadd.s32 s2, s17  }
0x8e: {  	[smem:$0x3FC5] =	sst s2  }
0x8f: {  	_ = 	snop  }
0x90: {  	s2 =	sld [smem:$0x3FC7]  }
0x91: {  	s18 =	sld [smem:$0x3FD0];
	(tm) =	ssettm $0x1  }
0x92: {  	s4 =	sld [smem:$0x3FFB];
	_ =	sdelay $0x3  }
0x93: {  	_ =	strace s4  }
0x94: {  	s4 =	sld [smem:$0x3FFC];
	_ =	sdelay $0x3  }
0x95: {  	_ =	strace s4  }
0x96: {  	s4 =	sld [smem:$0x3FFD];
	_ =	sdelay $0x3  }
0x97: {  	_ =	strace s4  }
0x98: {  	_ =	strace $0x8FFFFFFF  }
0x99: {  	s19 =	sld [smem:$0x3FDB];
	_ =	sdelay $0x1  }
0x9a: {  	s5 =	simm.s32 $_scs_section_size  }
0x9b: {  	s6 =	simm.s32 $_size__tile_overlayer_lowered;
	s7 =	simm.s32 $_tile_overlayer_lowered  }
0x9c: {  	s22 =	simm.s32 $0x1BFF;
	s21 =	sshll.u32 s7, $0x1;
	s4 =	sadd.s32 s5, s19  }
0x9d: {  	s8 =	simm.s32 $0x0;
	s20 =	sshll.u32 s6, $0x1;
	s6 =	sadd.s32 s21, s4  }
0x9e: {  	[timem:s8], [sflag:s22] =	dma.local [hbm:s6], s20  }
0x9f: {  	_ =	swait.ge [sflag:s22], s20  }
0xa0: {  	s5 =	ssub.s32 $0x0, s20;
	[sflag:s22] =	ssyncset.done $0x0  }
0xa1: {  	[sflag:s22] =	ssyncadd.s32 s5;
	_ =	sdelay $0x1  }
0xa2: {  	s23 =	simm.s32 $0x1B8B  }
0xa3: {  	_ =	swait.ge [sflag:s23], $0x1  }
0xa4: {  	[sflag:s23] =	ssyncset.done $0x0  }
0xa5: {  	s25 =	simm.s32 $0x1B8E;
	s24 =	sld [smem:$0x3FFE];
	[sflag:s23] =	ssyncadd.s32 $0xFFFFFFFF  }
0xa6: {  	s26 =	simm.s32 $execute0_lowered;
	[smem:$0x3FD2] =	sst s25  }
0xa7: {  	s6 =	sshll.u32 s26, $0x1;
	_ =	strace $0x80000046;
	[dreg:$0x1] =	wrdreg $0xFFFFFFFF  }
0xa8: {  	s28 =	simm.s32 $_size_execute0_lowered;
	s4 =	sadd.s32 s4, s6;
	[dreg:$0x0] =	wrdreg $0x0  }
0xa9: {  	s6 =	sshll.u32 s28, $0x1;
	[dreg:$0x2] =	wrdreg s4  }
0xaa: {  	[dreg:$0x3] =	wrdreg s6  }
0xab: {  	[dreg:$0x4] =	wrdreg $0xC0  }
0xac: {  	_ =	task [dreg:s8], $0x5FFFF  }
0xad: {  	[dreg:$0x1] =	wrdreg $0xFFFFFFFF  }
0xae: {  	[dreg:$0x0] =	wrdreg $0x60  }
0xaf: {  	[dreg:$0x2] =	wrdreg s18  }
0xb0: {  	[dreg:$0x3] =	wrdreg s24  }
0xb1: {  	[dreg:$0x4] =	wrdreg s2  }
0xb2: {  	[dreg:$0x5] =	wrdreg $0x8C800  }
0xb3: {  	[dreg:$0x6] =	wrdreg $0x9  }
0xb4: {  	_ =	task.clear_ibuf [dreg:s8], $0x7FFFF;
	_ =	strace $0x90000046  }
0xb5: {  	s29 =	simm.s32 $0x9;
	_ =	strace $0x80000048  }
0xb6: {  	_ =	swait.ge [sflag:s29], $0x1  }
0xb7: {  	[sflag:s29] =	ssyncadd.s32 $0xFFFFFFFF  }
0xb8: {  	_ =	strace $0x90000048  }
0xb9: {  	_ =	sfence  }
0xba: {  	s30 =	sld [smem:$0x0];
	_ =	sdelay $0x2  }
0xbb: {  	s31 =	sshll.u32 s1, $0xD;
	s1 =	sshrl.u32 s1, $0x2  }
0xbc: {  	s3 =	sand.u32 $0x4000, s31;
	s1 =	sadd.s32 s1, s30  }
0xbd: {  	s0 =	sor.u32 s3, s0;
	s1 =	sshll.u32 s1, $0x11  }
0xbe: {  	s0 =	sor.u32 s1, s0  }
0xbf: {  	s0 =	sadd.s32 $0x8F2B, s0  }
0xc0: {  	[sflag:s0] =	ssyncadd.remote.s32 $0x1  }
0xc1: {  	_ =	sfence.sel $0xFFFF  }
0xc2: {  	[dreg:$0x0] =	wrdreg $0xFFFFFFFF;
	(pc) =	sbr.abs _section_cstart, $3  }
0xc3: {  	[dreg:$0x1] =	wrdreg $0xFFFFFFFF  }
0xc4: {  	_ =	task.clear_ibuf [dreg:s8], $0x2FFFF;
	_ =	strace $0x9FFFFFFF  }
0xc5: {  	(tm) =	ssettm $0x7FFFFFFF  }
tec
execute0_lowered:
.L_overlay_start_1:
0x0: {  	(tag) =	ssettag $0x1  }
0x1: {  	v1 =	vimm.s32 $0x180;
	v0 =	vlaneseq.u32;
	v2 =	vimm.s32 $0x32107654  }
0x2: {  	vm0 =	vcmask $0x2F00;
	v4 =	vimm.s32 $0x80;
	v6 =	vimm.s32 $0x13121110  }
0x3: {  	v7 =	vimm.s32 $0xFEDCBA98;
	v8 =	vimm.s32 $0x76543210;
	v10 =	vimm.s32 $0xF0E0D0C  }
0x4: {  	v11 =	vimm.s32 $0x3020100;
	vm1 =	vcmask $0x300;
	v12 =	vimm.s32 $0x3780  }
0x5: {  	v13 =	vimm.s32 $0x4D80;
	v14 =	vimm.s32 $0x5D80;
	v9 =	vshrl.u32 v0, $0x3  }
0x6: {  	v2 =	vunpack.c.l.s4.s8 v2;
	v1 =	vsel vm0, $0x100, v1;
	vm0 =	vcmask $0xF00  }
0x7: {  	v6 =	vunpack.c.0.s8.s32 v6;
	v7 =	vunpack.c.l.s4.s8 v7;
	v8 =	vunpack.c.l.s4.s8 v8  }
0x8: {  	v10 =	vunpack.c.0.s8.s32 v10;
	v11 =	vunpack.c.0.s8.s32 v11;
	v12 =	vsel vm1, $0x2600, v12  }
0x9: {  	v13 =	vsel vm1, $0x3C00, v13;
	v14 =	vsel vm1, $0x4E00, v14;
	v5 =	vunpack.c.0.s8.s32 v2  }
0xa: {  	v3 =	vmul.u32 $0x80, v9;
	v9 =	vmul.u32 $0x8, v9;
	v2 =	vsel vm0, $0x0, v4  }
0xb: {  	v7 =	vunpack.c.0.s8.s32 v7;
	v4 =	vand.u32 $0xF, v5;
	v5 =	vimm.s32 $0xB0A0908  }
0xc: {  	vm0 =	vcmask $0x2F10;
	v3 =	vadd.s32 $0x80, v3;
	v5 =	vunpack.c.0.s8.s32 v5  }
0xd: {  	v7 =	vand.u32 $0xF, v7;
	v4 =	vsel vm0, v4, v6;
	vm0 =	vcmask $0x3F30  }
0xe: {  	v4 =	vsel vm0, v5, v4;
	vm0 =	vcmask $0x1F10;
	v5 =	vunpack.c.0.s8.s32 v8  }
0xf: {  	v8 =	vsel vm0, v6, v10;
	v6 =	vsel vm0, v11, v6;
	vm0 =	vmmov $0xff  }
0x10: {  	v10 =	vimm.s32 $0xF80;
	v11 =	vimm.s32 $0x2580;
	v5 =	vcombine.low v8, v5  }
0x11: {  	v6 =	vcombine.low v7, v6;
	v7 =	vadd.s32 $0x184, v0;
	v8 =	vand.u32 $0x7, v0  }
0x12: {  	v10 =	vsel vm1, $0x400, v10;
	v11 =	vsel vm1, $0x1400, v11;
	vm1 =	vcmask $0x704  }
0x13: {  	v10 =	vsel vm1, $0x480, v10;
	v11 =	vsel vm1, $0x1480, v11;
	v12 =	vsel vm1, $0x2680, v12  }
0x14: {  	s0 =	rddreg [dreg:$0x0];
	v13 =	vsel vm1, $0x3C80, v13;
	v14 =	vsel vm1, $0x4E80, v14;
	vm1 =	vcmask $0xB08  }
0x15: {  	s5 =	rddreg [dreg:$0x1];
	v10 =	vsel vm1, $0x500, v10;
	v11 =	vsel vm1, $0x1500, v11;
	v12 =	vsel vm1, $0x2700, v12  }
0x16: {  	s7 =	rddreg [dreg:$0x2];
	v13 =	vsel vm1, $0x3D00, v13;
	v14 =	vsel vm1, $0x4F00, v14;
	vm1 =	vcmask $0xF0C  }
0x17: {  	s1 =	rddreg [dreg:$0x3];
	v10 =	vsel vm1, $0x580, v10;
	v11 =	vsel vm1, $0x1580, v11;
	v12 =	vsel vm1, $0x2780, v12  }
0x18: {  	s2 =	simm.s32 $0x0;
	s3 =	srdreg.scid;
	s23 =	simm.s32 $0xC80;
	v13 =	vsel vm1, $0x3D80, v13;
	v14 =	vsel vm1, $0x4F80, v14;
	vm1 =	vcmask $0x1310  }
0x19: {  	s24 =	simm.s32 $0x1480;
	s25 =	simm.s32 $0x2480;
	s26 =	simm.s32 $0x2C80;
	v10 =	vsel vm1, $0x600, v10;
	v11 =	vsel vm1, $0x1C00, v11;
	v12 =	vsel vm1, $0x2C00, v12  }
0x1a: {  	s28 =	simm.s32 $0x3C80;
	s29 =	simm.s32 $0x4480;
	[dreg:$0x5] =	wrdreg s0;
	v13 =	vsel vm1, $0x3E00, v13;
	v14 =	vsel vm1, $0x5400, v14;
	vm1 =	vcmask $0x1714  }
0x1b: {  	s30 =	simm.s32 $0x5480;
	s31 =	simm.s32 $0x50;
	s0 =	rddreg [dreg:$0x4];
	v10 =	vsel vm1, $0x680, v10;
	v11 =	vsel vm1, $0x1C80, v11;
	v12 =	vsel vm1, $0x2C80, v12  }
0x1c: {  	[smem:$0x7FF] =	sst s2;
	s8 =	sand.u32 $0x1, s3;
	s3 =	stileid.u32;
	v13 =	vsel vm1, $0x3E80, v13;
	v14 =	vsel vm1, $0x5480, v14;
	vm1 =	vcmask $0x1B18  }
0x1d: {  	s4 =	sadd.s32 $0x400, s5;
	_ =	strace $0x80000047;
	[dreg:$0xa] =	wrdreg s23;
	v10 =	vsel vm1, $0x700, v10;
	v11 =	vsel vm1, $0x1D00, v11;
	v12 =	vsel vm1, $0x2D00, v12  }
0x1e: {  	s11 =	sadd.s32 $0x1E84C00, s5;
	s10 =	smul.u32 $0x3D000, s3;
	[dreg:$0xb] =	wrdreg s24;
	v13 =	vsel vm1, $0x3F00, v13;
	v14 =	vsel vm1, $0x5500, v14;
	vm1 =	vcmask $0x1F1C  }
0x1f: {  	s6 =	ssub.s32 $0x2, s8;
	s16 =	smul.u32 $0x1E80, s3;
	[dreg:$0xc] =	wrdreg s25;
	v10 =	vsel vm1, $0x780, v10;
	v11 =	vsel vm1, $0x1D80, v11;
	v12 =	vsel vm1, $0x2D80, v12  }
0x20: {  	s17 =	sshll.u32 s3, $0xA;
	s13 =	smul.u32 $0x600000, s3;
	[dreg:$0xd] =	wrdreg s26;
	v13 =	vsel vm1, $0x3F80, v13;
	v14 =	vsel vm1, $0x5580, v14;
	vm1 =	vcmask $0x2320  }
0x21: {  	s12 =	sshll.u32 s8, $0x9;
	s19 =	smul.u32 $0x300000, s8;
	[dreg:$0xe] =	wrdreg s28;
	v10 =	vsel vm1, $0xC00, v10;
	v11 =	vsel vm1, $0x1E00, v11;
	v12 =	vsel vm1, $0x3400, v12  }
0x22: {  	s20 =	sshll.u32 s3, $0x6;
	s15 =	smul.u32 $0xC0000, s3;
	[dreg:$0xf] =	wrdreg s29;
	v13 =	vsel vm1, $0x4400, v13;
	v14 =	vsel vm1, $0x5600, v14;
	vm1 =	vcmask $0x2724  }
0x23: {  	s8 =	smul.u32 $0x60000, s8;
	p0 =	sne.s32 s3, $0xF;
	[dreg:$0x10] =	wrdreg s30;
	v10 =	vsel vm1, $0xC80, v10;
	v11 =	vsel vm1, $0x1E80, v11;
	v12 =	vsel vm1, $0x3480, v12  }
0x24: {  	[dreg:$0x12] =	wrdreg s31;
	s9 =	sshrl.u32 s6, $0x1;
	s12 =	sor.u32 s12, s17;
	v13 =	vsel vm1, $0x4480, v13;
	v14 =	vsel vm1, $0x5680, v14;
	vm1 =	vcmask $0x2B28  }
0x25: {  	s17 =	simm.s32 $0x6480;
	s9 =	ssub.s32 s6, s9;
	s18 =	sshrl.u32 s10, $0x2;
	v10 =	vsel vm1, $0xD00, v10;
	v11 =	vsel vm1, $0x1F00, v11;
	v12 =	vsel vm1, $0x3500, v12  }
0x26: {  	s5 =	sadd.s32 s7, s16;
	s6 =	sor.u32 $0x1C03, s20;
	s12 =	sshrl.u32 s12, $0x3;
	v13 =	vsel vm1, $0x4500, v13;
	v14 =	vsel vm1, $0x5700, v14;
	vm1 =	vcmask $0x2F2C  }
0x27: {  	s10 =	sadd.s32 s19, s13;
	s13 =	sadd.s32 $0xF4000, s1;
	s7 =	sadd.s32 $0x1E800, s7;
	v10 =	vsel vm1, $0xD80, v10;
	v11 =	vsel vm1, $0x1F80, v11;
	v12 =	vsel vm1, $0x3580, v12  }
0x28: {  	s16 =	simm.s32 $0x5C80;
	s19 =	simm.s32 $0x1;
	s20 =	simm.s32 $0x0;
	v13 =	vsel vm1, $0x4580, v13;
	v14 =	vsel vm1, $0x5780, v14;
	vm1 =	vcmask $0x3330  }
0x29: {  	s14 =	sadd.s32 s18, s1;
	[dreg:$0x6] =	wrdreg s12;
	s21 =	sor.u32 $0x4800, s10;
	v10 =	vsel vm1, $0xE00, v10;
	v11 =	vsel vm1, $0x2400, v11;
	v12 =	vsel vm1, $0x3600, v12  }
0x2a: {  	s10 =	sor.u32 $0x3000, s10;
	[dreg:$0x11] =	wrdreg s16;
	s12 =	sshrl.u32 s21, $0x3;
	v13 =	vsel vm1, $0x4C00, v13;
	v14 =	vsel vm1, $0x5C00, v14;
	vm1 =	vcmask $0x3734  }
0x2b: {  	s16 =	simm.s32 $0x400;
	s10 =	sshrl.u32 s10, $0x3;
	s12 =	sadd.s32 s12, s11;
	v15 =	vsel vm1, $0xE80, v10;
	v16 =	vsel vm1, $0x2480, v11;
	v17 =	vsel vm1, $0x3680, v12  }
0x2c: {  	s18 =	simm.s32 $0x2;
	s10 =	sadd.s32 s10, s11;
	[dreg:$0x7] =	wrdreg s12;
	v18 =	vsel vm1, $0x4C80, v13;
	v19 =	vsel vm1, $0x5C80, v14;
	vm1 =	vcmask $0x3B38  }
0x2d: {  	s11 =	sadd.s32 s15, s11;
	s15 =	simm.s32 $0x4C80;
	[dreg:$0x8] =	wrdreg s10;
	v10 =	vor.u32 $0x8, v0;
	v11 =	vmul.u32 $0x80, v0;
	v12 =	vsel vm1, $0xF00, v15  }
0x2e: {  	s22 =	sadd.s32 s8, s11;
	s8 =	smax.u32 s9, $0x1;
	s9 =	sshrl.u32 s14, $0x3;
	v13 =	vsel vm1, $0x2500, v16;
	v14 =	vsel vm1, $0x3700, v17;
	v15 =	vsel vm1, $0x4D00, v18  }
0x2f: {  	s10 =	simm.s32 $0x3;
	s11 =	sshrl.u32 @!p0 s13, $0x3;
	s12 =	simm.s32 $0x480;
	v16 =	vsel vm1, $0x5D00, v19;
	vm1 =	vmmov $0xf;
	v17 =	vor.u32 $0x800, v11  }
0x30: {  	s13 =	simm.s32 $0x1C80;
	s14 =	simm.s32 $0x3480;
	[dreg:$0x9] =	wrdreg s22;
	v18 =	vor.u32 $0x1000, v11;
	v19 =	vor.u32 $0x1800, v11;
	v20 =	vor.u32 $0x2000, v11  }
.LBB2_1:
0x31: {  	[spmem:s9], [sflag:s6] =	dma.local [hbm:s5], $0x1E80  }
0x32: {  	_ =	swait.ge [sflag:s10], $0x1E80  }
0x33: {  	[sflag:s10] =	ssyncset.done $0x0  }
0x34: {  	s21 =	simm.s32 @!p0 $0x3;
	[sflag:s10] =	ssyncadd.s32 $0xFFFFE180  }
0x35: {  	[spmem:s11], [sflag:s6] =	dma.local @!p0 [hbm:s7], $0x80  }
0x36: {  	_ =	swait.ge @!p0 [sflag:s21], $0x80  }
0x37: {  	[sflag:s21] =	ssyncset.done @!p0 $0x0  }
0x38: {  	[sflag:s21] =	ssyncadd.s32 @!p0 $0xFFFFFF80  }
0x39: {  	s22 =	simm.s32 $0x0;
	s21 =	simm.s32 $0x0;
	[bflag:$0x0] =	sbarrier.arrive $0xFFFF  }
.LBB2_2:
0x3a: {  	s23 =	sand.u32 $0x1, s22  }
0x3b: {  	p1 =	seq.s32 s23, $0x1  }
0x3c: {  	s24 =	rddreg [dreg:$0x6];
	s25 =	sshrl.u32 @!p1 s22, $0x1  }
0x3d: {  	s24 =	sadd.s32 @!p1 s24, s25  }
0x3e: {  	s26 =	sshll.u32 s23, $0x2;
	s24 =	sshll.u32 @!p1 s24, $0x7  }
0x3f: {  	v21 =	vmov s26;
	s25 =	rddreg [dreg:$0x5];
	s24 =	sand.u32 @!p1 $0x1FFFFF80, s24  }
0x40: {  	v22 =	vshll.u32 v21, $0x7;
	s24 =	sadd.s32 @!p1 s25, s24;
	s25 =	simm.s32 @!p1 $0x0  }
0x41: {  	v21 =	vor.u32 v0, v22;
	[tilespmem:s25], [sflag:$0x3] =	stream.linear.gather @!p1 [hbm4b:s24+s25], $0x400, $0x38;
	[tilespmem:$0x180C0] =	vst v63  }
0x42: {  	s24 =	simm.s32 @!p1 $0x3  }
0x43: {  	_ =	swait.ge @!p1 [sflag:s24], $0x400  }
0x44: {  	[sflag:s24] =	ssyncset.done @!p1 $0x0  }
0x45: {  	[sflag:s24] =	ssyncadd.s32 @!p1 $0xFFFFFC00  }
0x46: {  	v24 =	vld.idx.msk [tilespmem:v21+s2+$0x0], $0xffff  }
0x47: {  	v23 =	vor.u32 v2, v22  }
0x48: {  	v23 =	vor.u32 v4, v23;
	_ =	sdelay $0x2  }
0x49: {  	v24 =	vshrl.u32 v24, $0x7  }
0x4a: {  	[tilespmem:$0x400] =	vst v24  }
0x4b: {  	v25 =	vld.idx.msk [tilespmem:v23+s2+$0x0], $0xffff  }
0x4c: {  	v55 =	vor.u32 v3, v22  }
0x4d: {  	v24 =	vor.u32 v5, v55;
	_ =	sdelay $0x2  }
0x4e: {  	v25 =	vshrl.u32 v25, $0x7  }
0x4f: {  	[tilespmem:$0x410] =	vst v25  }
0x50: {  	v26 =	vld.idx.msk [tilespmem:v24+s2+$0x0], $0xffff  }
0x51: {  	v56 =	vor.u32 v1, v22  }
0x52: {  	v25 =	vor.u32 v6, v56;
	_ =	sdelay $0x2  }
0x53: {  	v26 =	vshrl.u32 v26, $0x7  }
0x54: {  	[tilespmem:$0x420] =	vst v26  }
0x55: {  	v26 =	vld.idx.msk [tilespmem:v25+s2+$0x0], $0xffff;
	_ =	sdelay $0x1  }
0x56: {  	v22 =	vor.u32 v7, v22;
	_ =	sdelay $0x2  }
0x57: {  	v26 =	vshrl.u32 v26, $0x7  }
0x58: {  	[tilespmem:$0x430] =	vst v26  }
0x59: {  	v26 =	vld.idx.msk [tilespmem:v22+s2+$0x0], $0xffff;
	_ =	sdelay $0x4  }
0x5a: {  	v26 =	vshrl.u32 v26, $0x7  }
0x5b: {  	s23 =	sshll.u32 s23, $0x9;
	[tilespmem:$0x440] =	vst v26  }
0x5c: {  	v26 =	vld [tilespmem:s23+$0x0];
	_ =	sdelay $0x4  }
0x5d: {  	v27 =	vshll.u32 v26, $0x1  }
0x5e: {  	v26 =	vand.u32 $0x7, v26;
	v27 =	vand.u32 $0xFFFFFFF0, v27  }
0x5f: {  	v26 =	vor.u32 v26, v27  }
0x60: {  	v27 =	vperm.xlane v26, v8;
	_ =	sdelay $0x1  }
0x61: {  	v26 =	vperm.xlane v26, v10;
	v27 =	vadd.s32 v9, v27;
	_ =	sdelay $0x1  }
0x62: {  	v26 =	vadd.s32 v9, v26;
	_ =	sdelay $0x2  }
0x63: {  	[tilespmem:s12], [sflag:$0x1] =	stream.indirect_vreg.gather [hbm4b:s4+s2], $0x80, v27, vm0, $0xb8;
	[tilespmem:$0x180C0] =	vst v63  }
0x64: {  	s30 =	sor.u32 $0x10, s23;
	s29 =	rddreg [dreg:$0xa]  }
0x65: {  	[tilespmem:s29], [sflag:$0x1] =	stream.indirect_vreg.gather [hbm4b:s4+s2], $0x80, v26, vm0, $0xb8;
	[tilespmem:$0x180C0] =	vst v63  }
0x66: {  	v26 =	vld.msk [tilespmem:s30+$0x0], $0xf;
	_ =	sdelay $0x4  }
0x67: {  	v57 =	vshll.u32 v26, $0x1  }
0x68: {  	v26 =	vand.u32 $0x7, v26;
	v27 =	vand.u32 $0xFFFFFFF0, v57  }
0x69: {  	v26 =	vor.u32 v26, v27  }
0x6a: {  	v26 =	vperm.xlane v26, v8;
	_ =	sdelay $0x1  }
0x6b: {  	v26 =	vadd.s32 v9, v26;
	_ =	sdelay $0x3  }
0x6c: {  	s31 =	rddreg [dreg:$0xb]  }
0x6d: {  	[tilespmem:s31], [sflag:$0x1] =	stream.indirect_vreg.gather [hbm4b:s4+s2], $0x80, v26, vm1, $0xb8;
	[tilespmem:$0x180C0] =	vst v63  }
0x6e: {  	v26 =	vld [tilespmem:s23+$0x80];
	_ =	sdelay $0x4  }
0x6f: {  	v58 =	vshll.u32 v26, $0x1  }
0x70: {  	v26 =	vand.u32 $0x7, v26;
	v27 =	vand.u32 $0xFFFFFFF0, v58  }
0x71: {  	v26 =	vor.u32 v26, v27  }
0x72: {  	v27 =	vperm.xlane v26, v8;
	_ =	sdelay $0x1  }
0x73: {  	v26 =	vperm.xlane v26, v10;
	v27 =	vadd.s32 v9, v27;
	_ =	sdelay $0x1  }
0x74: {  	v26 =	vadd.s32 v9, v26;
	_ =	sdelay $0x2  }
0x75: {  	[tilespmem:s13], [sflag:$0x1] =	stream.indirect_vreg.gather [hbm4b:s4+s2], $0x80, v27, vm0, $0xb8;
	[tilespmem:$0x180C0] =	vst v63  }
0x76: {  	s26 =	sor.u32 $0x90, s23;
	s25 =	rddreg [dreg:$0xc]  }
0x77: {  	[tilespmem:s25], [sflag:$0x1] =	stream.indirect_vreg.gather [hbm4b:s4+s2], $0x80, v26, vm0, $0xb8;
	[tilespmem:$0x180C0] =	vst v63  }
0x78: {  	v26 =	vld.msk [tilespmem:s26+$0x0], $0xf;
	_ =	sdelay $0x4  }
0x79: {  	v59 =	vshll.u32 v26, $0x1  }
0x7a: {  	v26 =	vand.u32 $0x7, v26;
	v27 =	vand.u32 $0xFFFFFFF0, v59  }
0x7b: {  	v26 =	vor.u32 v26, v27  }
0x7c: {  	v26 =	vperm.xlane v26, v8;
	_ =	sdelay $0x1  }
0x7d: {  	v26 =	vadd.s32 v9, v26;
	_ =	sdelay $0x3  }
0x7e: {  	s28 =	rddreg [dreg:$0xd]  }
0x7f: {  	[tilespmem:s28], [sflag:$0x1] =	stream.indirect_vreg.gather [hbm4b:s4+s2], $0x80, v26, vm1, $0xb8;
	[tilespmem:$0x180C0] =	vst v63  }
0x80: {  	v26 =	vld [tilespmem:s23+$0x100];
	_ =	sdelay $0x4  }
0x81: {  	v60 =	vshll.u32 v26, $0x1  }
0x82: {  	v26 =	vand.u32 $0x7, v26;
	v27 =	vand.u32 $0xFFFFFFF0, v60  }
0x83: {  	v26 =	vor.u32 v26, v27  }
0x84: {  	v27 =	vperm.xlane v26, v8;
	_ =	sdelay $0x1  }
0x85: {  	v26 =	vperm.xlane v26, v10;
	v27 =	vadd.s32 v9, v27;
	_ =	sdelay $0x1  }
0x86: {  	v26 =	vadd.s32 v9, v26;
	_ =	sdelay $0x2  }
0x87: {  	[tilespmem:s14], [sflag:$0x1] =	stream.indirect_vreg.gather [hbm4b:s4+s2], $0x80, v27, vm0, $0xb8;
	[tilespmem:$0x180C0] =	vst v63  }
0x88: {  	s29 =	rddreg [dreg:$0xe];
	s30 =	sor.u32 $0x110, s23  }
0x89: {  	[tilespmem:s29], [sflag:$0x1] =	stream.indirect_vreg.gather [hbm4b:s4+s2], $0x80, v26, vm0, $0xb8;
	[tilespmem:$0x180C0] =	vst v63  }
0x8a: {  	v26 =	vld.msk [tilespmem:s30+$0x0], $0xf;
	_ =	sdelay $0x4  }
0x8b: {  	v61 =	vshll.u32 v26, $0x1  }
0x8c: {  	v26 =	vand.u32 $0x7, v26;
	v27 =	vand.u32 $0xFFFFFFF0, v61  }
0x8d: {  	v26 =	vor.u32 v26, v27  }
0x8e: {  	v26 =	vperm.xlane v26, v8;
	_ =	sdelay $0x1  }
0x8f: {  	v26 =	vadd.s32 v9, v26;
	_ =	sdelay $0x3  }
0x90: {  	s31 =	rddreg [dreg:$0xf]  }
0x91: {  	[tilespmem:s31], [sflag:$0x1] =	stream.indirect_vreg.gather [hbm4b:s4+s2], $0x80, v26, vm1, $0xb8;
	[tilespmem:$0x180C0] =	vst v63  }
0x92: {  	v26 =	vld [tilespmem:s23+$0x180];
	_ =	sdelay $0x4  }
0x93: {  	v62 =	vshll.u32 v26, $0x1  }
0x94: {  	v26 =	vand.u32 $0x7, v26;
	v27 =	vand.u32 $0xFFFFFFF0, v62  }
0x95: {  	v26 =	vor.u32 v26, v27  }
0x96: {  	v27 =	vperm.xlane v26, v8;
	_ =	sdelay $0x1  }
0x97: {  	v26 =	vperm.xlane v26, v10;
	v27 =	vadd.s32 v9, v27;
	_ =	sdelay $0x1  }
0x98: {  	v26 =	vadd.s32 v9, v26;
	_ =	sdelay $0x2  }
0x99: {  	[tilespmem:s15], [sflag:$0x1] =	stream.indirect_vreg.gather [hbm4b:s4+s2], $0x80, v27, vm0, $0xb8;
	[tilespmem:$0x180C0] =	vst v63  }
0x9a: {  	s25 =	rddreg [dreg:$0x10];
	s23 =	sor.u32 $0x190, s23  }
0x9b: {  	[tilespmem:s25], [sflag:$0x1] =	stream.indirect_vreg.gather [hbm4b:s4+s2], $0x80, v26, vm0, $0xb8;
	[tilespmem:$0x180C0] =	vst v63  }
0x9c: {  	v26 =	vld.msk [tilespmem:s23+$0x0], $0xf;
	_ =	sdelay $0x4  }
0x9d: {  	v63 =	vshll.u32 v26, $0x1  }
0x9e: {  	v26 =	vand.u32 $0x7, v26;
	v27 =	vand.u32 $0xFFFFFFF0, v63  }
0x9f: {  	v26 =	vor.u32 v26, v27  }
0xa0: {  	v26 =	vperm.xlane v26, v8;
	_ =	sdelay $0x1  }
0xa1: {  	v26 =	vadd.s32 v9, v26;
	_ =	sdelay $0x3  }
0xa2: {  	s26 =	rddreg [dreg:$0x11]  }
0xa3: {  	[tilespmem:s26], [sflag:$0x1] =	stream.indirect_vreg.gather [hbm4b:s4+s2], $0x80, v26, vm1, $0xb8;
	[tilespmem:$0x180C0] =	vst v63  }
0xa4: {  	s28 =	rddreg [dreg:$0x12]  }
0xa5: {  	[tilespmem:s17], [sflag:$0x2] =	stream.indirect.gather [spmem:s1], $0x80, s16, s28, $0xb8;
	[tilespmem:$0x180C0] =	vst v63  }
0xa6: {  	_ =	swait.ge [sflag:s18], $0x2800  }
0xa7: {  	[sflag:s18] =	ssyncset.done $0x0  }
0xa8: {  	[sflag:s18] =	ssyncadd.s32 $0xFFFFD800  }
0xa9: {  	_ =	swait.ge [sflag:s19], $0xA00  }
0xaa: {  	[sflag:s19] =	ssyncset.done $0x0  }
0xab: {  	[sflag:s19] =	ssyncadd.s32 $0xFFFFF600  }
0xac: {  	_ =	swait.ge [sflag:s19], $0xA00  }
0xad: {  	[sflag:s19] =	ssyncset.done $0x0  }
0xae: {  	[sflag:s19] =	ssyncadd.s32 $0xFFFFF600  }
0xaf: {  	_ =	swait.ge [sflag:s19], $0xA00  }
0xb0: {  	[sflag:s19] =	ssyncset.done $0x0  }
0xb1: {  	[sflag:s19] =	ssyncadd.s32 $0xFFFFF600  }
0xb2: {  	_ =	swait.ge [sflag:s19], $0xA00  }
0xb3: {  	[sflag:s19] =	ssyncset.done $0x0  }
0xb4: {  	[sflag:s19] =	ssyncadd.s32 $0xFFFFF600  }
0xb5: {  	v21 =	vld.idx.msk [tilespmem:v21+s2+$0x0], $0xffff;
	_ =	sdelay $0x4  }
0xb6: {  	v21 =	vand.u32 $0x7F, v21  }
0xb7: {  	v21 =	vor.u32 v11, v21;
	_ =	sdelay $0x4  }
0xb8: {  	v21 =	vld.idx.msk [tilespmem:v21+s17+$0x0], $0xffff;
	_ =	sdelay $0x4  }
0xb9: {  	[tilespmem:v12+s12+$0x0] =	vst.idx.msk $0xffff, v21  }
0xba: {  	v21 =	vld.idx.msk [tilespmem:v23+s2+$0x0], $0xffff;
	_ =	sdelay $0x4  }
0xbb: {  	v21 =	vand.u32 $0x7F, v21  }
0xbc: {  	v21 =	vor.u32 v17, v21;
	_ =	sdelay $0x4  }
0xbd: {  	v21 =	vld.idx.msk [tilespmem:v21+s17+$0x0], $0xffff;
	_ =	sdelay $0x4  }
0xbe: {  	[tilespmem:v13+s12+$0x0] =	vst.idx.msk $0xffff, v21  }
0xbf: {  	v21 =	vld.idx.msk [tilespmem:v24+s2+$0x0], $0xffff;
	_ =	sdelay $0x4  }
0xc0: {  	v21 =	vand.u32 $0x7F, v21  }
0xc1: {  	v21 =	vor.u32 v18, v21;
	_ =	sdelay $0x4  }
0xc2: {  	v21 =	vld.idx.msk [tilespmem:v21+s17+$0x0], $0xffff;
	_ =	sdelay $0x4  }
0xc3: {  	[tilespmem:v14+s12+$0x0] =	vst.idx.msk $0xffff, v21  }
0xc4: {  	v21 =	vld.idx.msk [tilespmem:v25+s2+$0x0], $0xffff;
	_ =	sdelay $0x4  }
0xc5: {  	v21 =	vand.u32 $0x7F, v21  }
0xc6: {  	v21 =	vor.u32 v19, v21;
	_ =	sdelay $0x4  }
0xc7: {  	v21 =	vld.idx.msk [tilespmem:v21+s17+$0x0], $0xffff;
	_ =	sdelay $0x4  }
0xc8: {  	[tilespmem:v15+s12+$0x0] =	vst.idx.msk $0xffff, v21  }
0xc9: {  	v21 =	vld.idx.msk [tilespmem:v22+s2+$0x0], $0xffff;
	_ =	sdelay $0x4  }
0xca: {  	v21 =	vand.u32 $0x7F, v21  }
0xcb: {  	v21 =	vor.u32 v20, v21;
	_ =	sdelay $0x4  }
0xcc: {  	v21 =	vld.idx.msk [tilespmem:v21+s17+$0x0], $0xffff;
	_ =	sdelay $0x3  }
0xcd: {  	s29 =	rddreg [dreg:$0x9]  }
0xce: {  	s23 =	sadd.s32 s21, s29;
	[tilespmem:v16+s12+$0x0] =	vst.idx.msk $0xffff, v21  }
0xcf: {  	[hbm4b:s23+s2] =	stream.linear.scatter [tilespmem:s12], [sflag:$0x3], $0x1800, $0x38;
	[tilespmem:$0x180C0] =	vst v63  }
0xd0: {  	_ =	swait.ge [sflag:s10], $0x1800  }
0xd1: {  	[sflag:s10] =	ssyncset.done $0x0  }
0xd2: {  	s23 =	sadd.s32 $0x300, s23;
	[sflag:s10] =	ssyncadd.s32 $0xFFFFE800  }
0xd3: {  	[hbm4b:s23+s2] =	stream.linear.scatter [tilespmem:s13], [sflag:$0x3], $0x1800, $0x38;
	[tilespmem:$0x180C0] =	vst v63  }
0xd4: {  	_ =	swait.ge [sflag:s10], $0x1800  }
0xd5: {  	s30 =	rddreg [dreg:$0x8];
	[sflag:s10] =	ssyncset.done $0x0  }
0xd6: {  	[sflag:s10] =	ssyncadd.s32 $0xFFFFE800;
	s23 =	sadd.s32 s21, s30  }
0xd7: {  	[hbm4b:s23+s2] =	stream.linear.scatter [tilespmem:s14], [sflag:$0x3], $0x1800, $0x38;
	[tilespmem:$0x180C0] =	vst v63  }
0xd8: {  	_ =	swait.ge [sflag:s10], $0x1800  }
0xd9: {  	s31 =	rddreg [dreg:$0x7]  }
0xda: {  	s23 =	sadd.s32 s21, s31;
	s21 =	sadd.s32 $0xC00, s21  }
0xdb: {  	[sflag:s10] =	ssyncset.done $0x0;
	p1 =	sne.s32 s21, $0x60000  }
.Ltmp0:
0xdc: {  	[sflag:s10] =	ssyncadd.s32 $0xFFFFE800;
	(pc) =	sbr.rel @p1 .LBB2_2-.Ltmp0, $4  }
0xdd: {  	[hbm4b:s23+s2] =	stream.linear.scatter [tilespmem:s15], [sflag:$0x3], $0x1800, $0x38;
	[tilespmem:$0x180C0] =	vst v63  }
0xde: {  	_ =	swait.ge [sflag:s10], $0x1800  }
0xdf: {  	[sflag:s10] =	ssyncset.done $0x0  }
0xe0: {  	s22 =	sadd.s32 $0x1, s22;
	[sflag:s10] =	ssyncadd.s32 $0xFFFFE800  }
0xe1: {  	s20 =	sadd.s32 $0x1, s20  }
0xe2: {  	p1 =	sne.s32 s20, s8  }
.Ltmp1:
0xe3: {  	_ = 	snop;
	(pc) =	sbr.rel @p1 .LBB2_1-.Ltmp1, $1  }
0xe4: {  	_ =	sdelay $0x3  }
0xe5: {  	_ =	sfence.sel $0x180000  }
0xe6: {  	[bflag:$0x0] =	sbarrier.arrive $0xFFFF  }
0xe7: {  	p0 =	sne.s32 s3, $0x0;
	_ =	strace $0x90000047  }
0xe8: {  	s0 =	sadd.s32 @!p0 $0x100000, s0;
	[bflag:$0x2] =	sbarrier.arrive $0xFFFF  }
0xe9: {  	[sflag:s0] =	ssyncadd.tile.s32 @!p0 $0x1;
	_ =	shalt  }
.Lfunc_end2:
_tile_overlayer_lowered:
.L_overlay_start_2:
0xea: {  	(tag) =	ssettag $0x2  }
0xeb: {  	s0 =	rddreg [dreg:$0x0];
	s2 =	stileid.u32  }
0xec: {  	s1 =	rddreg [dreg:$0x1];
	p0 =	sne.s32 s2, $0x0  }
0xed: {  	s3 =	rddreg [dreg:$0x2];
	[bflag:$0x3] =	sbarrier.arrive $0xFFFF;
	s2 =	simm.s32 @!p0 $0x1C03  }
0xee: {  	[timem:s3], [sflag:s2] =	dma.local @!p0 [hbm:s0], s1  }
0xef: {  	s0 =	simm.s32 @!p0 $0x3  }
0xf0: {  	_ =	swait.ge @!p0 [sflag:s0], s1  }
0xf1: {  	s1 =	ssub.s32 @!p0 $0x0, s1;
	[sflag:s0] =	ssyncset.done @!p0 $0x0  }
0xf2: {  	[sflag:s0] =	ssyncadd.s32 @!p0 s1  }
0xf3: {  	[bflag:$0x3] =	sbarrier.arrive $0xFFFF  }
0xf4: {  	_ =	shalt  }

</sc_bundles>
